<compile_context>
chip_gen: v7x
topology: tpu7x:2x2x1
jax: 0.10.2.dev20260603
libtpu: 0.0.44.dev20260713+nightly
codegen_flags: <defaults>
</compile_context>

<pallas_src>
import functools

import jax
import jax.numpy as jnp
from jax import lax
from jax.experimental import pallas as pl
from jax.experimental.pallas import tpu as pltpu
from jax.experimental.pallas import tpu_sc as plsc

_NUM_CORES = 2
_NUM_SUBCORES = 16
_NW = _NUM_CORES * _NUM_SUBCORES
_NB = 2
_NBUF = 8


def _gather_body(n_chunks, h, idx_hbm, w_hbm, out_hbm, idx_v, rows_v, gsems,
                 wsems):
    wid = lax.axis_index("s") * _NUM_CORES + lax.axis_index("c")
    pltpu.sync_copy(idx_hbm.at[wid], idx_v)
    batch0 = wid * (n_chunks * _NB)
    n_groups = n_chunks // _NBUF

    def _wait_writeback(br, cw):
        for s in range(_NB):
            pltpu.make_async_copy(
                rows_v.at[br].at[pl.ds(s * h, h)],
                out_hbm.at[batch0 + cw * _NB + s],
                wsems.at[br],
            ).wait()

    for b in range(_NBUF - 2):
        pltpu.async_copy(w_hbm.at[idx_v.at[b]], rows_v.at[b], gsems.at[b])

    def group(g, carry):
        for b in range(_NBUF):
            c = g * _NBUF + b
            pltpu.make_async_copy(
                w_hbm.at[idx_v.at[c]], rows_v.at[b], gsems.at[b]
            ).wait()
            for s in range(_NB):
                pltpu.async_copy(
                    rows_v.at[b].at[pl.ds(s * h, h)],
                    out_hbm.at[batch0 + c * _NB + s],
                    wsems.at[b],
                )

            br = (b - 2) % _NBUF
            if b >= 2:
                _wait_writeback(br, c - 2)
                @pl.when(g < n_groups - 1)
                def _():
                    pltpu.async_copy(
                        w_hbm.at[idx_v.at[c + _NBUF - 2]],
                        rows_v.at[br],
                        gsems.at[br],
                    )
            else:
                @pl.when(g > 0)
                def _():
                    _wait_writeback(br, c - 2)
                pltpu.async_copy(
                    w_hbm.at[idx_v.at[c + _NBUF - 2]],
                    rows_v.at[br],
                    gsems.at[br],
                )

        return carry

    lax.fori_loop(0, n_groups, group, 0)
    for cw in (n_chunks - 2, n_chunks - 1):
        _wait_writeback(cw % _NBUF, cw)


@functools.partial(jax.jit, static_argnums=(2, 3, 4))
def _embedding_lookup(idx, w, n_chunks, h, d):
    mesh = plsc.VectorSubcoreMesh(core_axis_name="c", subcore_axis_name="s")
    out = pl.kernel(
        functools.partial(_gather_body, n_chunks, h),
        out_type=jax.ShapeDtypeStruct((_NW * n_chunks * _NB, h, d), w.dtype),
        mesh=mesh,
        scratch_types=[
            pltpu.VMEM((n_chunks, _NB * h), jnp.int32),
            pltpu.VMEM((_NBUF, _NB * h, d), w.dtype),
            pltpu.SemaphoreType.DMA((_NBUF,)),
            pltpu.SemaphoreType.DMA((_NBUF,)),
        ],
    )(idx, w)
    return out


def kernel(token_ids, W):
    b, h = token_ids.shape
    n, d = W.shape
    assert b % (_NW * _NB) == 0
    n_chunks = b // (_NW * _NB)
    assert n_chunks % _NBUF == 0
    idx = token_ids.astype(jnp.int32).reshape(_NW, n_chunks, _NB * h)
    return _embedding_lookup(idx, W, n_chunks, h, d)

# --- scband reference (transcript-rebuilt; emitter-appended) ---
"""Pipeline reference for scband-embedding-82291573391780 (READ-ONLY COPY).

The authoritative reference and input builder live on the scoring server;
editing this copy changes nothing except your own understanding.
"""

import jax, jax.numpy as jnp
import numpy as np

NUM_EMBEDDINGS = 100000
EMBEDDING_DIM = 128
BATCH = 4096
HIST_LEN = 50

def setup_inputs(seed: int = 0) -> dict:
    key = jax.random.key(seed)
    k1, k2 = jax.random.split(key)
    token_ids = jax.random.randint(k1, (BATCH, HIST_LEN), 0, NUM_EMBEDDINGS, dtype=jnp.int64 if jax.config.jax_enable_x64 else jnp.int32)
    # trunc_normal_(mean=0, std=0.02, a=-0.04, b=0.04) -> truncated normal in [-2, 2] std units scaled by 0.02
    W = jax.random.truncated_normal(k2, -2.0, 2.0, (NUM_EMBEDDINGS, EMBEDDING_DIM), dtype=jnp.float32) * 0.02
    return {"token_ids": token_ids, "W": W}

def reference(token_ids, W):
    # Faithful translation of: return self.W[token_ids]
    return jnp.take(W, token_ids, axis=0)

if __name__ == "__main__":
    import jax
    _d = setup_inputs()
    print(jax.jit(kernel)(*tuple(_d.values())))

</pallas_src>

<mosaic_0001>
#map = affine_map<(d0, d1) -> (0, 0, 0)>
#map1 = affine_map<(d0, d1) -> (0, 0)>
module attributes {stable_mosaic.version = 14 : i64} {
  func.func @_gather_body(%arg0: i32, %arg1: i32, %arg2: memref<32x64x100xi32, #tpu.memory_space<hbm>>, %arg3: memref<100000x128xf32, #tpu.memory_space<hbm>>, %arg4: memref<4096x50x128xf32, #tpu.memory_space<hbm>>, %arg5: memref<64x100xi32, #tpu.memory_space<vmem>>, %arg6: memref<8x100x128xf32, #tpu.memory_space<vmem>>, %arg7: memref<8x!tpu.dma_semaphore, #tpu.memory_space<semaphore_mem>>, %arg8: memref<8x!tpu.dma_semaphore, #tpu.memory_space<semaphore_mem>>) attributes {dimension_semantics = [#tpu.dimension_semantics<core_parallel>, #tpu.dimension_semantics<subcore_parallel>], iteration_bounds = array<i64: 2, 16>, scalar_prefetch = 0 : i64, scratch_operands = 4 : i64, tpu.core_type = #tpu.core_type<sc_vector_subcore>, window_params = [{transform_indices = #map}, {transform_indices = #map1}, {transform_indices = #map}]} {
    %mul3A = arith.constant 2 : i32
    %mul3A_0 = arith.muli %arg1, %mul3A : i32
    %add3A = arith.addi %mul3A_0, %arg0 : i32
    "tpu.region"() ({
      %run_scoped3A = tpu.sem_alloc : memref<!tpu.dma_semaphore, #tpu.memory_space<semaphore_mem>>
      %dma_start3A_216 = arith.constant 0 : i32
      %dma_start3A_217 = arith.constant 0 : i32
      %dma_start3A_218 = tpu.memref_slice %arg2[%add3A, %dma_start3A_216, %dma_start3A_217] : memref<32x64x100xi32, #tpu.memory_space<hbm>> -> memref<1x64x100xi32, #tpu.memory_space<hbm>>
      %dma_start3A_219 = tpu.memref_squeeze %dma_start3A_218 : memref<1x64x100xi32, #tpu.memory_space<hbm>> -> memref<64x100xi32, #tpu.memory_space<hbm>>
      %dma_start3A_220 = arith.constant 0 : i32
      %dma_start3A_221 = arith.constant 0 : i32
      %dma_start3A_222 = tpu.memref_slice %arg2[%add3A, %dma_start3A_220, %dma_start3A_221] : memref<32x64x100xi32, #tpu.memory_space<hbm>> -> memref<1x64x100xi32, #tpu.memory_space<hbm>>
      %dma_start3A_223 = tpu.memref_squeeze %dma_start3A_222 : memref<1x64x100xi32, #tpu.memory_space<hbm>> -> memref<64x100xi32, #tpu.memory_space<hbm>>
      tpu.enqueue_dma source(%dma_start3A_223 : memref<64x100xi32, #tpu.memory_space<hbm>>) target(%arg5 : memref<64x100xi32, #tpu.memory_space<vmem>>) target_semaphore(%run_scoped3A : memref<!tpu.dma_semaphore, #tpu.memory_space<semaphore_mem>>)
      %dma_wait3A_224 = arith.constant 0 : i32
      %dma_wait3A_225 = arith.constant 0 : i32
      %dma_wait3A_226 = tpu.memref_slice %arg2[%add3A, %dma_wait3A_224, %dma_wait3A_225] : memref<32x64x100xi32, #tpu.memory_space<hbm>> -> memref<1x64x100xi32, #tpu.memory_space<hbm>>
      %dma_wait3A_227 = tpu.memref_squeeze %dma_wait3A_226 : memref<1x64x100xi32, #tpu.memory_space<hbm>> -> memref<64x100xi32, #tpu.memory_space<hbm>>
      %dma_wait3A_228 = arith.constant 0 : i32
      %dma_wait3A_229 = arith.constant 0 : i32
      %dma_wait3A_230 = tpu.memref_slice %arg2[%add3A, %dma_wait3A_228, %dma_wait3A_229] : memref<32x64x100xi32, #tpu.memory_space<hbm>> -> memref<1x64x100xi32, #tpu.memory_space<hbm>>
      %dma_wait3A_231 = tpu.memref_squeeze %dma_wait3A_230 : memref<1x64x100xi32, #tpu.memory_space<hbm>> -> memref<64x100xi32, #tpu.memory_space<hbm>>
      tpu.wait_dma2 semaphore(%run_scoped3A : memref<!tpu.dma_semaphore, #tpu.memory_space<semaphore_mem>>) src(%dma_wait3A_231 : memref<64x100xi32, #tpu.memory_space<hbm>>) dst(%arg5 : memref<64x100xi32, #tpu.memory_space<vmem>>)
      tpu.yield
    }) : () -> ()
    %mul3A_1 = arith.constant 128 : i32
    %mul3A_2 = arith.muli %add3A, %mul3A_1 : i32
    %dma_start3A = arith.constant 0 : i32
    %dma_start3A_3 = arith.constant 0 : i32
    %dma_start3A_4 = arith.constant 0 : i32
    %dma_start3A_5 = arith.constant 0 : i32
    %dma_start3A_6 = arith.constant 0 : i32
    %dma_start3A_7 = tpu.memref_slice %arg6[%dma_start3A_3, %dma_start3A_5, %dma_start3A_6] : memref<8x100x128xf32, #tpu.memory_space<vmem>> -> memref<1x100x128xf32, #tpu.memory_space<vmem>>
    %dma_start3A_8 = tpu.memref_squeeze %dma_start3A_7 : memref<1x100x128xf32, #tpu.memory_space<vmem>> -> memref<100x128xf32, #tpu.memory_space<vmem>>
    %dma_start3A_9 = arith.constant 0 : i32
    %dma_start3A_10 = tpu.memref_slice %arg5[%dma_start3A, %dma_start3A_9] : memref<64x100xi32, #tpu.memory_space<vmem>> -> memref<1x100xi32, #tpu.memory_space<vmem>>
    %dma_start3A_11 = tpu.memref_squeeze %dma_start3A_10 : memref<1x100xi32, #tpu.memory_space<vmem>> -> memref<100xi32, #tpu.memory_space<vmem>>
    %dma_start3A_12 = arith.constant 0 : i32
    %dma_start3A_13 = arith.constant 0 : i32
    %dma_start3A_14 = tpu.memref_slice %arg3[%dma_start3A_12, %dma_start3A_13] : memref<100000x128xf32, #tpu.memory_space<hbm>> -> memref<100000x128xf32, #tpu.memory_space<hbm>>
    %dma_start3A_15 = tpu.memref_slice %arg7[%dma_start3A_4] : memref<8x!tpu.dma_semaphore, #tpu.memory_space<semaphore_mem>> -> memref<1x!tpu.dma_semaphore, #tpu.memory_space<semaphore_mem>>
    %dma_start3A_16 = tpu.memref_squeeze %dma_start3A_15 : memref<1x!tpu.dma_semaphore, #tpu.memory_space<semaphore_mem>> -> memref<!tpu.dma_semaphore, #tpu.memory_space<semaphore_mem>>
    tpu.enqueue_indirect_dma source(%dma_start3A_14 : memref<100000x128xf32, #tpu.memory_space<hbm>>) target(%dma_start3A_8 : memref<100x128xf32, #tpu.memory_space<vmem>>) offsets(%dma_start3A_11 : memref<100xi32, #tpu.memory_space<vmem>>) semaphore(%dma_start3A_16 : memref<!tpu.dma_semaphore, #tpu.memory_space<semaphore_mem>>)
    %dma_start3A_17 = arith.constant 1 : i32
    %dma_start3A_18 = arith.constant 1 : i32
    %dma_start3A_19 = arith.constant 1 : i32
    %dma_start3A_20 = arith.constant 0 : i32
    %dma_start3A_21 = arith.constant 0 : i32
    %dma_start3A_22 = tpu.memref_slice %arg6[%dma_start3A_18, %dma_start3A_20, %dma_start3A_21] : memref<8x100x128xf32, #tpu.memory_space<vmem>> -> memref<1x100x128xf32, #tpu.memory_space<vmem>>
    %dma_start3A_23 = tpu.memref_squeeze %dma_start3A_22 : memref<1x100x128xf32, #tpu.memory_space<vmem>> -> memref<100x128xf32, #tpu.memory_space<vmem>>
    %dma_start3A_24 = arith.constant 0 : i32
    %dma_start3A_25 = tpu.memref_slice %arg5[%dma_start3A_17, %dma_start3A_24] : memref<64x100xi32, #tpu.memory_space<vmem>> -> memref<1x100xi32, #tpu.memory_space<vmem>>
    %dma_start3A_26 = tpu.memref_squeeze %dma_start3A_25 : memref<1x100xi32, #tpu.memory_space<vmem>> -> memref<100xi32, #tpu.memory_space<vmem>>
    %dma_start3A_27 = arith.constant 0 : i32
    %dma_start3A_28 = arith.constant 0 : i32
    %dma_start3A_29 = tpu.memref_slice %arg3[%dma_start3A_27, %dma_start3A_28] : memref<100000x128xf32, #tpu.memory_space<hbm>> -> memref<100000x128xf32, #tpu.memory_space<hbm>>
    %dma_start3A_30 = tpu.memref_slice %arg7[%dma_start3A_19] : memref<8x!tpu.dma_semaphore, #tpu.memory_space<semaphore_mem>> -> memref<1x!tpu.dma_semaphore, #tpu.memory_space<semaphore_mem>>
    %dma_start3A_31 = tpu.memref_squeeze %dma_start3A_30 : memref<1x!tpu.dma_semaphore, #tpu.memory_space<semaphore_mem>> -> memref<!tpu.dma_semaphore, #tpu.memory_space<semaphore_mem>>
    tpu.enqueue_indirect_dma source(%dma_start3A_29 : memref<100000x128xf32, #tpu.memory_space<hbm>>) target(%dma_start3A_23 : memref<100x128xf32, #tpu.memory_space<vmem>>) offsets(%dma_start3A_26 : memref<100xi32, #tpu.memory_space<vmem>>) semaphore(%dma_start3A_31 : memref<!tpu.dma_semaphore, #tpu.memory_space<semaphore_mem>>)
    %dma_start3A_32 = arith.constant 2 : i32
    %dma_start3A_33 = arith.constant 2 : i32
    %dma_start3A_34 = arith.constant 2 : i32
    %dma_start3A_35 = arith.constant 0 : i32
    %dma_start3A_36 = arith.constant 0 : i32
    %dma_start3A_37 = tpu.memref_slice %arg6[%dma_start3A_33, %dma_start3A_35, %dma_start3A_36] : memref<8x100x128xf32, #tpu.memory_space<vmem>> -> memref<1x100x128xf32, #tpu.memory_space<vmem>>
    %dma_start3A_38 = tpu.memref_squeeze %dma_start3A_37 : memref<1x100x128xf32, #tpu.memory_space<vmem>> -> memref<100x128xf32, #tpu.memory_space<vmem>>
    %dma_start3A_39 = arith.constant 0 : i32
    %dma_start3A_40 = tpu.memref_slice %arg5[%dma_start3A_32, %dma_start3A_39] : memref<64x100xi32, #tpu.memory_space<vmem>> -> memref<1x100xi32, #tpu.memory_space<vmem>>
    %dma_start3A_41 = tpu.memref_squeeze %dma_start3A_40 : memref<1x100xi32, #tpu.memory_space<vmem>> -> memref<100xi32, #tpu.memory_space<vmem>>
    %dma_start3A_42 = arith.constant 0 : i32
    %dma_start3A_43 = arith.constant 0 : i32
    %dma_start3A_44 = tpu.memref_slice %arg3[%dma_start3A_42, %dma_start3A_43] : memref<100000x128xf32, #tpu.memory_space<hbm>> -> memref<100000x128xf32, #tpu.memory_space<hbm>>
    %dma_start3A_45 = tpu.memref_slice %arg7[%dma_start3A_34] : memref<8x!tpu.dma_semaphore, #tpu.memory_space<semaphore_mem>> -> memref<1x!tpu.dma_semaphore, #tpu.memory_space<semaphore_mem>>
    %dma_start3A_46 = tpu.memref_squeeze %dma_start3A_45 : memref<1x!tpu.dma_semaphore, #tpu.memory_space<semaphore_mem>> -> memref<!tpu.dma_semaphore, #tpu.memory_space<semaphore_mem>>
    tpu.enqueue_indirect_dma source(%dma_start3A_44 : memref<100000x128xf32, #tpu.memory_space<hbm>>) target(%dma_start3A_38 : memref<100x128xf32, #tpu.memory_space<vmem>>) offsets(%dma_start3A_41 : memref<100xi32, #tpu.memory_space<vmem>>) semaphore(%dma_start3A_46 : memref<!tpu.dma_semaphore, #tpu.memory_space<semaphore_mem>>)
    %dma_start3A_47 = arith.constant 3 : i32
    %dma_start3A_48 = arith.constant 3 : i32
    %dma_start3A_49 = arith.constant 3 : i32
    %dma_start3A_50 = arith.constant 0 : i32
    %dma_start3A_51 = arith.constant 0 : i32
    %dma_start3A_52 = tpu.memref_slice %arg6[%dma_start3A_48, %dma_start3A_50, %dma_start3A_51] : memref<8x100x128xf32, #tpu.memory_space<vmem>> -> memref<1x100x128xf32, #tpu.memory_space<vmem>>
    %dma_start3A_53 = tpu.memref_squeeze %dma_start3A_52 : memref<1x100x128xf32, #tpu.memory_space<vmem>> -> memref<100x128xf32, #tpu.memory_space<vmem>>
    %dma_start3A_54 = arith.constant 0 : i32
    %dma_start3A_55 = tpu.memref_slice %arg5[%dma_start3A_47, %dma_start3A_54] : memref<64x100xi32, #tpu.memory_space<vmem>> -> memref<1x100xi32, #tpu.memory_space<vmem>>
    %dma_start3A_56 = tpu.memref_squeeze %dma_start3A_55 : memref<1x100xi32, #tpu.memory_space<vmem>> -> memref<100xi32, #tpu.memory_space<vmem>>
    %dma_start3A_57 = arith.constant 0 : i32
    %dma_start3A_58 = arith.constant 0 : i32
    %dma_start3A_59 = tpu.memref_slice %arg3[%dma_start3A_57, %dma_start3A_58] : memref<100000x128xf32, #tpu.memory_space<hbm>> -> memref<100000x128xf32, #tpu.memory_space<hbm>>
    %dma_start3A_60 = tpu.memref_slice %arg7[%dma_start3A_49] : memref<8x!tpu.dma_semaphore, #tpu.memory_space<semaphore_mem>> -> memref<1x!tpu.dma_semaphore, #tpu.memory_space<semaphore_mem>>
    %dma_start3A_61 = tpu.memref_squeeze %dma_start3A_60 : memref<1x!tpu.dma_semaphore, #tpu.memory_space<semaphore_mem>> -> memref<!tpu.dma_semaphore, #tpu.memory_space<semaphore_mem>>
    tpu.enqueue_indirect_dma source(%dma_start3A_59 : memref<100000x128xf32, #tpu.memory_space<hbm>>) target(%dma_start3A_53 : memref<100x128xf32, #tpu.memory_space<vmem>>) offsets(%dma_start3A_56 : memref<100xi32, #tpu.memory_space<vmem>>) semaphore(%dma_start3A_61 : memref<!tpu.dma_semaphore, #tpu.memory_space<semaphore_mem>>)
    %dma_start3A_62 = arith.constant 4 : i32
    %dma_start3A_63 = arith.constant 4 : i32
    %dma_start3A_64 = arith.constant 4 : i32
    %dma_start3A_65 = arith.constant 0 : i32
    %dma_start3A_66 = arith.constant 0 : i32
    %dma_start3A_67 = tpu.memref_slice %arg6[%dma_start3A_63, %dma_start3A_65, %dma_start3A_66] : memref<8x100x128xf32, #tpu.memory_space<vmem>> -> memref<1x100x128xf32, #tpu.memory_space<vmem>>
    %dma_start3A_68 = tpu.memref_squeeze %dma_start3A_67 : memref<1x100x128xf32, #tpu.memory_space<vmem>> -> memref<100x128xf32, #tpu.memory_space<vmem>>
    %dma_start3A_69 = arith.constant 0 : i32
    %dma_start3A_70 = tpu.memref_slice %arg5[%dma_start3A_62, %dma_start3A_69] : memref<64x100xi32, #tpu.memory_space<vmem>> -> memref<1x100xi32, #tpu.memory_space<vmem>>
    %dma_start3A_71 = tpu.memref_squeeze %dma_start3A_70 : memref<1x100xi32, #tpu.memory_space<vmem>> -> memref<100xi32, #tpu.memory_space<vmem>>
    %dma_start3A_72 = arith.constant 0 : i32
    %dma_start3A_73 = arith.constant 0 : i32
    %dma_start3A_74 = tpu.memref_slice %arg3[%dma_start3A_72, %dma_start3A_73] : memref<100000x128xf32, #tpu.memory_space<hbm>> -> memref<100000x128xf32, #tpu.memory_space<hbm>>
    %dma_start3A_75 = tpu.memref_slice %arg7[%dma_start3A_64] : memref<8x!tpu.dma_semaphore, #tpu.memory_space<semaphore_mem>> -> memref<1x!tpu.dma_semaphore, #tpu.memory_space<semaphore_mem>>
    %dma_start3A_76 = tpu.memref_squeeze %dma_start3A_75 : memref<1x!tpu.dma_semaphore, #tpu.memory_space<semaphore_mem>> -> memref<!tpu.dma_semaphore, #tpu.memory_space<semaphore_mem>>
    tpu.enqueue_indirect_dma source(%dma_start3A_74 : memref<100000x128xf32, #tpu.memory_space<hbm>>) target(%dma_start3A_68 : memref<100x128xf32, #tpu.memory_space<vmem>>) offsets(%dma_start3A_71 : memref<100xi32, #tpu.memory_space<vmem>>) semaphore(%dma_start3A_76 : memref<!tpu.dma_semaphore, #tpu.memory_space<semaphore_mem>>)
    %dma_start3A_77 = arith.constant 5 : i32
    %dma_start3A_78 = arith.constant 5 : i32
    %dma_start3A_79 = arith.constant 5 : i32
    %dma_start3A_80 = arith.constant 0 : i32
    %dma_start3A_81 = arith.constant 0 : i32
    %dma_start3A_82 = tpu.memref_slice %arg6[%dma_start3A_78, %dma_start3A_80, %dma_start3A_81] : memref<8x100x128xf32, #tpu.memory_space<vmem>> -> memref<1x100x128xf32, #tpu.memory_space<vmem>>
    %dma_start3A_83 = tpu.memref_squeeze %dma_start3A_82 : memref<1x100x128xf32, #tpu.memory_space<vmem>> -> memref<100x128xf32, #tpu.memory_space<vmem>>
    %dma_start3A_84 = arith.constant 0 : i32
    %dma_start3A_85 = tpu.memref_slice %arg5[%dma_start3A_77, %dma_start3A_84] : memref<64x100xi32, #tpu.memory_space<vmem>> -> memref<1x100xi32, #tpu.memory_space<vmem>>
    %dma_start3A_86 = tpu.memref_squeeze %dma_start3A_85 : memref<1x100xi32, #tpu.memory_space<vmem>> -> memref<100xi32, #tpu.memory_space<vmem>>
    %dma_start3A_87 = arith.constant 0 : i32
    %dma_start3A_88 = arith.constant 0 : i32
    %dma_start3A_89 = tpu.memref_slice %arg3[%dma_start3A_87, %dma_start3A_88] : memref<100000x128xf32, #tpu.memory_space<hbm>> -> memref<100000x128xf32, #tpu.memory_space<hbm>>
    %dma_start3A_90 = tpu.memref_slice %arg7[%dma_start3A_79] : memref<8x!tpu.dma_semaphore, #tpu.memory_space<semaphore_mem>> -> memref<1x!tpu.dma_semaphore, #tpu.memory_space<semaphore_mem>>
    %dma_start3A_91 = tpu.memref_squeeze %dma_start3A_90 : memref<1x!tpu.dma_semaphore, #tpu.memory_space<semaphore_mem>> -> memref<!tpu.dma_semaphore, #tpu.memory_space<semaphore_mem>>
    tpu.enqueue_indirect_dma source(%dma_start3A_89 : memref<100000x128xf32, #tpu.memory_space<hbm>>) target(%dma_start3A_83 : memref<100x128xf32, #tpu.memory_space<vmem>>) offsets(%dma_start3A_86 : memref<100xi32, #tpu.memory_space<vmem>>) semaphore(%dma_start3A_91 : memref<!tpu.dma_semaphore, #tpu.memory_space<semaphore_mem>>)
    %scan3A = arith.constant 0 : i32
    %scan3A_92 = arith.constant 0 : i32
    %scan3A_93 = arith.constant 8 : i32
    %scan3A_94 = arith.addi %scan3A_92, %scan3A_93 : i32
    %scan3A_95 = arith.constant 1 : i32
    scf.for %scan3A_216 = %scan3A_92 to %scan3A_94 step %scan3A_95  : i32 {
      %mul3A_217 = arith.constant 8 : i32
      %mul3A_218 = arith.muli %scan3A_216, %mul3A_217 : i32
      %add3A_219 = arith.constant 0 : i32
      %add3A_220 = arith.addi %mul3A_218, %add3A_219 : i32
      %dma_wait3A_221 = arith.constant 0 : i32
      %dma_wait3A_222 = arith.constant 0 : i32
      %dma_wait3A_223 = arith.constant 0 : i32
      %dma_wait3A_224 = arith.constant 0 : i32
      %dma_wait3A_225 = tpu.memref_slice %arg6[%dma_wait3A_221, %dma_wait3A_223, %dma_wait3A_224] : memref<8x100x128xf32, #tpu.memory_space<vmem>> -> memref<1x100x128xf32, #tpu.memory_space<vmem>>
      %dma_wait3A_226 = tpu.memref_squeeze %dma_wait3A_225 : memref<1x100x128xf32, #tpu.memory_space<vmem>> -> memref<100x128xf32, #tpu.memory_space<vmem>>
      %dma_wait3A_227 = arith.constant 0 : i32
      %dma_wait3A_228 = tpu.memref_slice %arg5[%add3A_220, %dma_wait3A_227] : memref<64x100xi32, #tpu.memory_space<vmem>> -> memref<1x100xi32, #tpu.memory_space<vmem>>
      %dma_wait3A_229 = tpu.memref_squeeze %dma_wait3A_228 : memref<1x100xi32, #tpu.memory_space<vmem>> -> memref<100xi32, #tpu.memory_space<vmem>>
      %dma_wait3A_230 = arith.constant 0 : i32
      %dma_wait3A_231 = arith.constant 0 : i32
      %dma_wait3A_232 = tpu.memref_slice %arg3[%dma_wait3A_230, %dma_wait3A_231] : memref<100000x128xf32, #tpu.memory_space<hbm>> -> memref<100000x128xf32, #tpu.memory_space<hbm>>
      %dma_wait3A_233 = tpu.memref_slice %arg7[%dma_wait3A_222] : memref<8x!tpu.dma_semaphore, #tpu.memory_space<semaphore_mem>> -> memref<1x!tpu.dma_semaphore, #tpu.memory_space<semaphore_mem>>
      %dma_wait3A_234 = tpu.memref_squeeze %dma_wait3A_233 : memref<1x!tpu.dma_semaphore, #tpu.memory_space<semaphore_mem>> -> memref<!tpu.dma_semaphore, #tpu.memory_space<semaphore_mem>>
      tpu.wait_indirect_dma semaphore(%dma_wait3A_234 : memref<!tpu.dma_semaphore, #tpu.memory_space<semaphore_mem>>) src(%dma_wait3A_232 : memref<100000x128xf32, #tpu.memory_space<hbm>>) dst(%dma_wait3A_226 : memref<100x128xf32, #tpu.memory_space<vmem>>)
      %mul3A_235 = arith.constant 2 : i32
      %mul3A_236 = arith.muli %add3A_220, %mul3A_235 : i32
      %add3A_237 = arith.addi %mul3A_2, %mul3A_236 : i32
      %add3A_238 = arith.constant 0 : i32
      %add3A_239 = arith.addi %add3A_237, %add3A_238 : i32
      %dma_start3A_240 = arith.constant 0 : i32
      %dma_start3A_241 = arith.constant 0 : i32
      %dma_start3A_242 = arith.constant 0 : i32
      %dma_start3A_243 = arith.constant 0 : i32
      %dma_start3A_244 = tpu.memref_slice %arg6[%dma_start3A_240, %dma_start3A_242, %dma_start3A_243] : memref<8x100x128xf32, #tpu.memory_space<vmem>> -> memref<1x100x128xf32, #tpu.memory_space<vmem>>
      %dma_start3A_245 = tpu.memref_squeeze %dma_start3A_244 : memref<1x100x128xf32, #tpu.memory_space<vmem>> -> memref<100x128xf32, #tpu.memory_space<vmem>>
      %dma_start3A_246 = arith.constant 0 : i32
      %dma_start3A_247 = arith.constant 0 : i32
      %dma_start3A_248 = tpu.memref_slice %dma_start3A_245[%dma_start3A_246, %dma_start3A_247] : memref<100x128xf32, #tpu.memory_space<vmem>> -> memref<50x128xf32, #tpu.memory_space<vmem>>
      %dma_start3A_249 = arith.constant 0 : i32
      %dma_start3A_250 = arith.constant 0 : i32
      %dma_start3A_251 = tpu.memref_slice %arg4[%add3A_239, %dma_start3A_249, %dma_start3A_250] : memref<4096x50x128xf32, #tpu.memory_space<hbm>> -> memref<1x50x128xf32, #tpu.memory_space<hbm>>
      %dma_start3A_252 = tpu.memref_squeeze %dma_start3A_251 : memref<1x50x128xf32, #tpu.memory_space<hbm>> -> memref<50x128xf32, #tpu.memory_space<hbm>>
      %dma_start3A_253 = tpu.memref_slice %arg8[%dma_start3A_241] : memref<8x!tpu.dma_semaphore, #tpu.memory_space<semaphore_mem>> -> memref<1x!tpu.dma_semaphore, #tpu.memory_space<semaphore_mem>>
      %dma_start3A_254 = tpu.memref_squeeze %dma_start3A_253 : memref<1x!tpu.dma_semaphore, #tpu.memory_space<semaphore_mem>> -> memref<!tpu.dma_semaphore, #tpu.memory_space<semaphore_mem>>
      %dma_start3A_255 = arith.constant 0 : i32
      %dma_start3A_256 = arith.constant 0 : i32
      %dma_start3A_257 = tpu.memref_slice %arg4[%add3A_239, %dma_start3A_255, %dma_start3A_256] : memref<4096x50x128xf32, #tpu.memory_space<hbm>> -> memref<1x50x128xf32, #tpu.memory_space<hbm>>
      %dma_start3A_258 = tpu.memref_squeeze %dma_start3A_257 : memref<1x50x128xf32, #tpu.memory_space<hbm>> -> memref<50x128xf32, #tpu.memory_space<hbm>>
      %dma_start3A_259 = arith.constant 0 : i32
      %dma_start3A_260 = arith.constant 0 : i32
      %dma_start3A_261 = tpu.memref_slice %arg6[%dma_start3A_240, %dma_start3A_259, %dma_start3A_260] : memref<8x100x128xf32, #tpu.memory_space<vmem>> -> memref<1x100x128xf32, #tpu.memory_space<vmem>>
      %dma_start3A_262 = tpu.memref_squeeze %dma_start3A_261 : memref<1x100x128xf32, #tpu.memory_space<vmem>> -> memref<100x128xf32, #tpu.memory_space<vmem>>
      %dma_start3A_263 = arith.constant 0 : i32
      %dma_start3A_264 = arith.constant 0 : i32
      %dma_start3A_265 = tpu.memref_slice %dma_start3A_262[%dma_start3A_263, %dma_start3A_264] : memref<100x128xf32, #tpu.memory_space<vmem>> -> memref<50x128xf32, #tpu.memory_space<vmem>>
      tpu.enqueue_dma source(%dma_start3A_265 : memref<50x128xf32, #tpu.memory_space<vmem>>) target(%dma_start3A_258 : memref<50x128xf32, #tpu.memory_space<hbm>>) target_semaphore(%dma_start3A_254 : memref<!tpu.dma_semaphore, #tpu.memory_space<semaphore_mem>>)
      %mul3A_266 = arith.constant 2 : i32
      %mul3A_267 = arith.muli %add3A_220, %mul3A_266 : i32
      %add3A_268 = arith.addi %mul3A_2, %mul3A_267 : i32
      %add3A_269 = arith.constant 1 : i32
      %add3A_270 = arith.addi %add3A_268, %add3A_269 : i32
      %dma_start3A_271 = arith.constant 0 : i32
      %dma_start3A_272 = arith.constant 0 : i32
      %dma_start3A_273 = arith.constant 0 : i32
      %dma_start3A_274 = arith.constant 0 : i32
      %dma_start3A_275 = tpu.memref_slice %arg6[%dma_start3A_271, %dma_start3A_273, %dma_start3A_274] : memref<8x100x128xf32, #tpu.memory_space<vmem>> -> memref<1x100x128xf32, #tpu.memory_space<vmem>>
      %dma_start3A_276 = tpu.memref_squeeze %dma_start3A_275 : memref<1x100x128xf32, #tpu.memory_space<vmem>> -> memref<100x128xf32, #tpu.memory_space<vmem>>
      %dma_start3A_277 = arith.constant 50 : i32
      %dma_start3A_278 = arith.constant 0 : i32
      %dma_start3A_279 = tpu.memref_slice %dma_start3A_276[%dma_start3A_277, %dma_start3A_278] : memref<100x128xf32, #tpu.memory_space<vmem>> -> memref<50x128xf32, #tpu.memory_space<vmem>>
      %dma_start3A_280 = arith.constant 0 : i32
      %dma_start3A_281 = arith.constant 0 : i32
      %dma_start3A_282 = tpu.memref_slice %arg4[%add3A_270, %dma_start3A_280, %dma_start3A_281] : memref<4096x50x128xf32, #tpu.memory_space<hbm>> -> memref<1x50x128xf32, #tpu.memory_space<hbm>>
      %dma_start3A_283 = tpu.memref_squeeze %dma_start3A_282 : memref<1x50x128xf32, #tpu.memory_space<hbm>> -> memref<50x128xf32, #tpu.memory_space<hbm>>
      %dma_start3A_284 = tpu.memref_slice %arg8[%dma_start3A_272] : memref<8x!tpu.dma_semaphore, #tpu.memory_space<semaphore_mem>> -> memref<1x!tpu.dma_semaphore, #tpu.memory_space<semaphore_mem>>
      %dma_start3A_285 = tpu.memref_squeeze %dma_start3A_284 : memref<1x!tpu.dma_semaphore, #tpu.memory_space<semaphore_mem>> -> memref<!tpu.dma_semaphore, #tpu.memory_space<semaphore_mem>>
      %dma_start3A_286 = arith.constant 0 : i32
      %dma_start3A_287 = arith.constant 0 : i32
      %dma_start3A_288 = tpu.memref_slice %arg4[%add3A_270, %dma_start3A_286, %dma_start3A_287] : memref<4096x50x128xf32, #tpu.memory_space<hbm>> -> memref<1x50x128xf32, #tpu.memory_space<hbm>>
      %dma_start3A_289 = tpu.memref_squeeze %dma_start3A_288 : memref<1x50x128xf32, #tpu.memory_space<hbm>> -> memref<50x128xf32, #tpu.memory_space<hbm>>
      %dma_start3A_290 = arith.constant 0 : i32
      %dma_start3A_291 = arith.constant 0 : i32
      %dma_start3A_292 = tpu.memref_slice %arg6[%dma_start3A_271, %dma_start3A_290, %dma_start3A_291] : memref<8x100x128xf32, #tpu.memory_space<vmem>> -> memref<1x100x128xf32, #tpu.memory_space<vmem>>
      %dma_start3A_293 = tpu.memref_squeeze %dma_start3A_292 : memref<1x100x128xf32, #tpu.memory_space<vmem>> -> memref<100x128xf32, #tpu.memory_space<vmem>>
      %dma_start3A_294 = arith.constant 50 : i32
      %dma_start3A_295 = arith.constant 0 : i32
      %dma_start3A_296 = tpu.memref_slice %dma_start3A_293[%dma_start3A_294, %dma_start3A_295] : memref<100x128xf32, #tpu.memory_space<vmem>> -> memref<50x128xf32, #tpu.memory_space<vmem>>
      tpu.enqueue_dma source(%dma_start3A_296 : memref<50x128xf32, #tpu.memory_space<vmem>>) target(%dma_start3A_289 : memref<50x128xf32, #tpu.memory_space<hbm>>) target_semaphore(%dma_start3A_285 : memref<!tpu.dma_semaphore, #tpu.memory_space<semaphore_mem>>)
      %gt3A = arith.constant 0 : i32
      %gt3A_297 = arith.cmpi sgt, %scan3A_216, %gt3A : i32
      %convert_element_type3A = arith.extui %gt3A_297 : i1 to i32
      %cond3A = arith.constant 0 : i32
      %cond3A_298 = arith.cmpi ne, %convert_element_type3A, %cond3A : i32
      scf.if %cond3A_298 {
        %sub3A_1312 = arith.constant 2 : i32
        %sub3A_1313 = arith.subi %add3A_220, %sub3A_1312 : i32
        %mul3A_1314 = arith.constant 2 : i32
        %mul3A_1315 = arith.muli %sub3A_1313, %mul3A_1314 : i32
        %add3A_1316 = arith.addi %mul3A_2, %mul3A_1315 : i32
        %add3A_1317 = arith.constant 0 : i32
        %add3A_1318 = arith.addi %add3A_1316, %add3A_1317 : i32
        %dma_wait3A_1319 = arith.constant 6 : i32
        %dma_wait3A_1320 = arith.constant 6 : i32
        %dma_wait3A_1321 = arith.constant 0 : i32
        %dma_wait3A_1322 = arith.constant 0 : i32
        %dma_wait3A_1323 = tpu.memref_slice %arg6[%dma_wait3A_1319, %dma_wait3A_1321, %dma_wait3A_1322] : memref<8x100x128xf32, #tpu.memory_space<vmem>> -> memref<1x100x128xf32, #tpu.memory_space<vmem>>
        %dma_wait3A_1324 = tpu.memref_squeeze %dma_wait3A_1323 : memref<1x100x128xf32, #tpu.memory_space<vmem>> -> memref<100x128xf32, #tpu.memory_space<vmem>>
        %dma_wait3A_1325 = arith.constant 0 : i32
        %dma_wait3A_1326 = arith.constant 0 : i32
        %dma_wait3A_1327 = tpu.memref_slice %dma_wait3A_1324[%dma_wait3A_1325, %dma_wait3A_1326] : memref<100x128xf32, #tpu.memory_space<vmem>> -> memref<50x128xf32, #tpu.memory_space<vmem>>
        %dma_wait3A_1328 = arith.constant 0 : i32
        %dma_wait3A_1329 = arith.constant 0 : i32
        %dma_wait3A_1330 = tpu.memref_slice %arg4[%add3A_1318, %dma_wait3A_1328, %dma_wait3A_1329] : memref<4096x50x128xf32, #tpu.memory_space<hbm>> -> memref<1x50x128xf32, #tpu.memory_space<hbm>>
        %dma_wait3A_1331 = tpu.memref_squeeze %dma_wait3A_1330 : memref<1x50x128xf32, #tpu.memory_space<hbm>> -> memref<50x128xf32, #tpu.memory_space<hbm>>
        %dma_wait3A_1332 = tpu.memref_slice %arg8[%dma_wait3A_1320] : memref<8x!tpu.dma_semaphore, #tpu.memory_space<semaphore_mem>> -> memref<1x!tpu.dma_semaphore, #tpu.memory_space<semaphore_mem>>
        %dma_wait3A_1333 = tpu.memref_squeeze %dma_wait3A_1332 : memref<1x!tpu.dma_semaphore, #tpu.memory_space<semaphore_mem>> -> memref<!tpu.dma_semaphore, #tpu.memory_space<semaphore_mem>>
        %dma_wait3A_1334 = arith.constant 0 : i32
        %dma_wait3A_1335 = arith.constant 0 : i32
        %dma_wait3A_1336 = tpu.memref_slice %arg4[%add3A_1318, %dma_wait3A_1334, %dma_wait3A_1335] : memref<4096x50x128xf32, #tpu.memory_space<hbm>> -> memref<1x50x128xf32, #tpu.memory_space<hbm>>
        %dma_wait3A_1337 = tpu.memref_squeeze %dma_wait3A_1336 : memref<1x50x128xf32, #tpu.memory_space<hbm>> -> memref<50x128xf32, #tpu.memory_space<hbm>>
        %dma_wait3A_1338 = arith.constant 0 : i32
        %dma_wait3A_1339 = arith.constant 0 : i32
        %dma_wait3A_1340 = tpu.memref_slice %arg6[%dma_wait3A_1319, %dma_wait3A_1338, %dma_wait3A_1339] : memref<8x100x128xf32, #tpu.memory_space<vmem>> -> memref<1x100x128xf32, #tpu.memory_space<vmem>>
        %dma_wait3A_1341 = tpu.memref_squeeze %dma_wait3A_1340 : memref<1x100x128xf32, #tpu.memory_space<vmem>> -> memref<100x128xf32, #tpu.memory_space<vmem>>
        %dma_wait3A_1342 = arith.constant 0 : i32
        %dma_wait3A_1343 = arith.constant 0 : i32
        %dma_wait3A_1344 = tpu.memref_slice %dma_wait3A_1341[%dma_wait3A_1342, %dma_wait3A_1343] : memref<100x128xf32, #tpu.memory_space<vmem>> -> memref<50x128xf32, #tpu.memory_space<vmem>>
        tpu.wait_dma2 semaphore(%dma_wait3A_1333 : memref<!tpu.dma_semaphore, #tpu.memory_space<semaphore_mem>>) src(%dma_wait3A_1344 : memref<50x128xf32, #tpu.memory_space<vmem>>) dst(%dma_wait3A_1337 : memref<50x128xf32, #tpu.memory_space<hbm>>)
        %mul3A_1345 = arith.constant 2 : i32
        %mul3A_1346 = arith.muli %sub3A_1313, %mul3A_1345 : i32
        %add3A_1347 = arith.addi %mul3A_2, %mul3A_1346 : i32
        %add3A_1348 = arith.constant 1 : i32
        %add3A_1349 = arith.addi %add3A_1347, %add3A_1348 : i32
        %dma_wait3A_1350 = arith.constant 6 : i32
        %dma_wait3A_1351 = arith.constant 6 : i32
        %dma_wait3A_1352 = arith.constant 0 : i32
        %dma_wait3A_1353 = arith.constant 0 : i32
        %dma_wait3A_1354 = tpu.memref_slice %arg6[%dma_wait3A_1350, %dma_wait3A_1352, %dma_wait3A_1353] : memref<8x100x128xf32, #tpu.memory_space<vmem>> -> memref<1x100x128xf32, #tpu.memory_space<vmem>>
        %dma_wait3A_1355 = tpu.memref_squeeze %dma_wait3A_1354 : memref<1x100x128xf32, #tpu.memory_space<vmem>> -> memref<100x128xf32, #tpu.memory_space<vmem>>
        %dma_wait3A_1356 = arith.constant 50 : i32
        %dma_wait3A_1357 = arith.constant 0 : i32
        %dma_wait3A_1358 = tpu.memref_slice %dma_wait3A_1355[%dma_wait3A_1356, %dma_wait3A_1357] : memref<100x128xf32, #tpu.memory_space<vmem>> -> memref<50x128xf32, #tpu.memory_space<vmem>>
        %dma_wait3A_1359 = arith.constant 0 : i32
        %dma_wait3A_1360 = arith.constant 0 : i32
        %dma_wait3A_1361 = tpu.memref_slice %arg4[%add3A_1349, %dma_wait3A_1359, %dma_wait3A_1360] : memref<4096x50x128xf32, #tpu.memory_space<hbm>> -> memref<1x50x128xf32, #tpu.memory_space<hbm>>
        %dma_wait3A_1362 = tpu.memref_squeeze %dma_wait3A_1361 : memref<1x50x128xf32, #tpu.memory_space<hbm>> -> memref<50x128xf32, #tpu.memory_space<hbm>>
        %dma_wait3A_1363 = tpu.memref_slice %arg8[%dma_wait3A_1351] : memref<8x!tpu.dma_semaphore, #tpu.memory_space<semaphore_mem>> -> memref<1x!tpu.dma_semaphore, #tpu.memory_space<semaphore_mem>>
        %dma_wait3A_1364 = tpu.memref_squeeze %dma_wait3A_1363 : memref<1x!tpu.dma_semaphore, #tpu.memory_space<semaphore_mem>> -> memref<!tpu.dma_semaphore, #tpu.memory_space<semaphore_mem>>
        %dma_wait3A_1365 = arith.constant 0 : i32
        %dma_wait3A_1366 = arith.constant 0 : i32
        %dma_wait3A_1367 = tpu.memref_slice %arg4[%add3A_1349, %dma_wait3A_1365, %dma_wait3A_1366] : memref<4096x50x128xf32, #tpu.memory_space<hbm>> -> memref<1x50x128xf32, #tpu.memory_space<hbm>>
        %dma_wait3A_1368 = tpu.memref_squeeze %dma_wait3A_1367 : memref<1x50x128xf32, #tpu.memory_space<hbm>> -> memref<50x128xf32, #tpu.memory_space<hbm>>
        %dma_wait3A_1369 = arith.constant 0 : i32
        %dma_wait3A_1370 = arith.constant 0 : i32
        %dma_wait3A_1371 = tpu.memref_slice %arg6[%dma_wait3A_1350, %dma_wait3A_1369, %dma_wait3A_1370] : memref<8x100x128xf32, #tpu.memory_space<vmem>> -> memref<1x100x128xf32, #tpu.memory_space<vmem>>
        %dma_wait3A_1372 = tpu.memref_squeeze %dma_wait3A_1371 : memref<1x100x128xf32, #tpu.memory_space<vmem>> -> memref<100x128xf32, #tpu.memory_space<vmem>>
        %dma_wait3A_1373 = arith.constant 50 : i32
        %dma_wait3A_1374 = arith.constant 0 : i32
        %dma_wait3A_1375 = tpu.memref_slice %dma_wait3A_1372[%dma_wait3A_1373, %dma_wait3A_1374] : memref<100x128xf32, #tpu.memory_space<vmem>> -> memref<50x128xf32, #tpu.memory_space<vmem>>
        tpu.wait_dma2 semaphore(%dma_wait3A_1364 : memref<!tpu.dma_semaphore, #tpu.memory_space<semaphore_mem>>) src(%dma_wait3A_1375 : memref<50x128xf32, #tpu.memory_space<vmem>>) dst(%dma_wait3A_1368 : memref<50x128xf32, #tpu.memory_space<hbm>>)
      } else {
      }
      %add3A_299 = arith.constant 8 : i32
      %add3A_300 = arith.addi %add3A_220, %add3A_299 : i32
      %sub3A = arith.constant 2 : i32
      %sub3A_301 = arith.subi %add3A_300, %sub3A : i32
      %dma_start3A_302 = arith.constant 6 : i32
      %dma_start3A_303 = arith.constant 6 : i32
      %dma_start3A_304 = arith.constant 0 : i32
      %dma_start3A_305 = arith.constant 0 : i32
      %dma_start3A_306 = tpu.memref_slice %arg6[%dma_start3A_302, %dma_start3A_304, %dma_start3A_305] : memref<8x100x128xf32, #tpu.memory_space<vmem>> -> memref<1x100x128xf32, #tpu.memory_space<vmem>>
      %dma_start3A_307 = tpu.memref_squeeze %dma_start3A_306 : memref<1x100x128xf32, #tpu.memory_space<vmem>> -> memref<100x128xf32, #tpu.memory_space<vmem>>
      %dma_start3A_308 = arith.constant 0 : i32
      %dma_start3A_309 = tpu.memref_slice %arg5[%sub3A_301, %dma_start3A_308] : memref<64x100xi32, #tpu.memory_space<vmem>> -> memref<1x100xi32, #tpu.memory_space<vmem>>
      %dma_start3A_310 = tpu.memref_squeeze %dma_start3A_309 : memref<1x100xi32, #tpu.memory_space<vmem>> -> memref<100xi32, #tpu.memory_space<vmem>>
      %dma_start3A_311 = arith.constant 0 : i32
      %dma_start3A_312 = arith.constant 0 : i32
      %dma_start3A_313 = tpu.memref_slice %arg3[%dma_start3A_311, %dma_start3A_312] : memref<100000x128xf32, #tpu.memory_space<hbm>> -> memref<100000x128xf32, #tpu.memory_space<hbm>>
      %dma_start3A_314 = tpu.memref_slice %arg7[%dma_start3A_303] : memref<8x!tpu.dma_semaphore, #tpu.memory_space<semaphore_mem>> -> memref<1x!tpu.dma_semaphore, #tpu.memory_space<semaphore_mem>>
      %dma_start3A_315 = tpu.memref_squeeze %dma_start3A_314 : memref<1x!tpu.dma_semaphore, #tpu.memory_space<semaphore_mem>> -> memref<!tpu.dma_semaphore, #tpu.memory_space<semaphore_mem>>
      tpu.enqueue_indirect_dma source(%dma_start3A_313 : memref<100000x128xf32, #tpu.memory_space<hbm>>) target(%dma_start3A_307 : memref<100x128xf32, #tpu.memory_space<vmem>>) offsets(%dma_start3A_310 : memref<100xi32, #tpu.memory_space<vmem>>) semaphore(%dma_start3A_315 : memref<!tpu.dma_semaphore, #tpu.memory_space<semaphore_mem>>)
      %mul3A_316 = arith.constant 8 : i32
      %mul3A_317 = arith.muli %scan3A_216, %mul3A_316 : i32
      %add3A_318 = arith.constant 1 : i32
      %add3A_319 = arith.addi %mul3A_317, %add3A_318 : i32
      %dma_wait3A_320 = arith.constant 1 : i32
      %dma_wait3A_321 = arith.constant 1 : i32
      %dma_wait3A_322 = arith.constant 0 : i32
      %dma_wait3A_323 = arith.constant 0 : i32
      %dma_wait3A_324 = tpu.memref_slice %arg6[%dma_wait3A_320, %dma_wait3A_322, %dma_wait3A_323] : memref<8x100x128xf32, #tpu.memory_space<vmem>> -> memref<1x100x128xf32, #tpu.memory_space<vmem>>
      %dma_wait3A_325 = tpu.memref_squeeze %dma_wait3A_324 : memref<1x100x128xf32, #tpu.memory_space<vmem>> -> memref<100x128xf32, #tpu.memory_space<vmem>>
      %dma_wait3A_326 = arith.constant 0 : i32
      %dma_wait3A_327 = tpu.memref_slice %arg5[%add3A_319, %dma_wait3A_326] : memref<64x100xi32, #tpu.memory_space<vmem>> -> memref<1x100xi32, #tpu.memory_space<vmem>>
      %dma_wait3A_328 = tpu.memref_squeeze %dma_wait3A_327 : memref<1x100xi32, #tpu.memory_space<vmem>> -> memref<100xi32, #tpu.memory_space<vmem>>
      %dma_wait3A_329 = arith.constant 0 : i32
      %dma_wait3A_330 = arith.constant 0 : i32
      %dma_wait3A_331 = tpu.memref_slice %arg3[%dma_wait3A_329, %dma_wait3A_330] : memref<100000x128xf32, #tpu.memory_space<hbm>> -> memref<100000x128xf32, #tpu.memory_space<hbm>>
      %dma_wait3A_332 = tpu.memref_slice %arg7[%dma_wait3A_321] : memref<8x!tpu.dma_semaphore, #tpu.memory_space<semaphore_mem>> -> memref<1x!tpu.dma_semaphore, #tpu.memory_space<semaphore_mem>>
      %dma_wait3A_333 = tpu.memref_squeeze %dma_wait3A_332 : memref<1x!tpu.dma_semaphore, #tpu.memory_space<semaphore_mem>> -> memref<!tpu.dma_semaphore, #tpu.memory_space<semaphore_mem>>
      tpu.wait_indirect_dma semaphore(%dma_wait3A_333 : memref<!tpu.dma_semaphore, #tpu.memory_space<semaphore_mem>>) src(%dma_wait3A_331 : memref<100000x128xf32, #tpu.memory_space<hbm>>) dst(%dma_wait3A_325 : memref<100x128xf32, #tpu.memory_space<vmem>>)
      %mul3A_334 = arith.constant 2 : i32
      %mul3A_335 = arith.muli %add3A_319, %mul3A_334 : i32
      %add3A_336 = arith.addi %mul3A_2, %mul3A_335 : i32
      %add3A_337 = arith.constant 0 : i32
      %add3A_338 = arith.addi %add3A_336, %add3A_337 : i32
      %dma_start3A_339 = arith.constant 1 : i32
      %dma_start3A_340 = arith.constant 1 : i32
      %dma_start3A_341 = arith.constant 0 : i32
      %dma_start3A_342 = arith.constant 0 : i32
      %dma_start3A_343 = tpu.memref_slice %arg6[%dma_start3A_339, %dma_start3A_341, %dma_start3A_342] : memref<8x100x128xf32, #tpu.memory_space<vmem>> -> memref<1x100x128xf32, #tpu.memory_space<vmem>>
      %dma_start3A_344 = tpu.memref_squeeze %dma_start3A_343 : memref<1x100x128xf32, #tpu.memory_space<vmem>> -> memref<100x128xf32, #tpu.memory_space<vmem>>
      %dma_start3A_345 = arith.constant 0 : i32
      %dma_start3A_346 = arith.constant 0 : i32
      %dma_start3A_347 = tpu.memref_slice %dma_start3A_344[%dma_start3A_345, %dma_start3A_346] : memref<100x128xf32, #tpu.memory_space<vmem>> -> memref<50x128xf32, #tpu.memory_space<vmem>>
      %dma_start3A_348 = arith.constant 0 : i32
      %dma_start3A_349 = arith.constant 0 : i32
      %dma_start3A_350 = tpu.memref_slice %arg4[%add3A_338, %dma_start3A_348, %dma_start3A_349] : memref<4096x50x128xf32, #tpu.memory_space<hbm>> -> memref<1x50x128xf32, #tpu.memory_space<hbm>>
      %dma_start3A_351 = tpu.memref_squeeze %dma_start3A_350 : memref<1x50x128xf32, #tpu.memory_space<hbm>> -> memref<50x128xf32, #tpu.memory_space<hbm>>
      %dma_start3A_352 = tpu.memref_slice %arg8[%dma_start3A_340] : memref<8x!tpu.dma_semaphore, #tpu.memory_space<semaphore_mem>> -> memref<1x!tpu.dma_semaphore, #tpu.memory_space<semaphore_mem>>
      %dma_start3A_353 = tpu.memref_squeeze %dma_start3A_352 : memref<1x!tpu.dma_semaphore, #tpu.memory_space<semaphore_mem>> -> memref<!tpu.dma_semaphore, #tpu.memory_space<semaphore_mem>>
      %dma_start3A_354 = arith.constant 0 : i32
      %dma_start3A_355 = arith.constant 0 : i32
      %dma_start3A_356 = tpu.memref_slice %arg4[%add3A_338, %dma_start3A_354, %dma_start3A_355] : memref<4096x50x128xf32, #tpu.memory_space<hbm>> -> memref<1x50x128xf32, #tpu.memory_space<hbm>>
      %dma_start3A_357 = tpu.memref_squeeze %dma_start3A_356 : memref<1x50x128xf32, #tpu.memory_space<hbm>> -> memref<50x128xf32, #tpu.memory_space<hbm>>
      %dma_start3A_358 = arith.constant 0 : i32
      %dma_start3A_359 = arith.constant 0 : i32
      %dma_start3A_360 = tpu.memref_slice %arg6[%dma_start3A_339, %dma_start3A_358, %dma_start3A_359] : memref<8x100x128xf32, #tpu.memory_space<vmem>> -> memref<1x100x128xf32, #tpu.memory_space<vmem>>
      %dma_start3A_361 = tpu.memref_squeeze %dma_start3A_360 : memref<1x100x128xf32, #tpu.memory_space<vmem>> -> memref<100x128xf32, #tpu.memory_space<vmem>>
      %dma_start3A_362 = arith.constant 0 : i32
      %dma_start3A_363 = arith.constant 0 : i32
      %dma_start3A_364 = tpu.memref_slice %dma_start3A_361[%dma_start3A_362, %dma_start3A_363] : memref<100x128xf32, #tpu.memory_space<vmem>> -> memref<50x128xf32, #tpu.memory_space<vmem>>
      tpu.enqueue_dma source(%dma_start3A_364 : memref<50x128xf32, #tpu.memory_space<vmem>>) target(%dma_start3A_357 : memref<50x128xf32, #tpu.memory_space<hbm>>) target_semaphore(%dma_start3A_353 : memref<!tpu.dma_semaphore, #tpu.memory_space<semaphore_mem>>)
      %mul3A_365 = arith.constant 2 : i32
      %mul3A_366 = arith.muli %add3A_319, %mul3A_365 : i32
      %add3A_367 = arith.addi %mul3A_2, %mul3A_366 : i32
      %add3A_368 = arith.constant 1 : i32
      %add3A_369 = arith.addi %add3A_367, %add3A_368 : i32
      %dma_start3A_370 = arith.constant 1 : i32
      %dma_start3A_371 = arith.constant 1 : i32
      %dma_start3A_372 = arith.constant 0 : i32
      %dma_start3A_373 = arith.constant 0 : i32
      %dma_start3A_374 = tpu.memref_slice %arg6[%dma_start3A_370, %dma_start3A_372, %dma_start3A_373] : memref<8x100x128xf32, #tpu.memory_space<vmem>> -> memref<1x100x128xf32, #tpu.memory_space<vmem>>
      %dma_start3A_375 = tpu.memref_squeeze %dma_start3A_374 : memref<1x100x128xf32, #tpu.memory_space<vmem>> -> memref<100x128xf32, #tpu.memory_space<vmem>>
      %dma_start3A_376 = arith.constant 50 : i32
      %dma_start3A_377 = arith.constant 0 : i32
      %dma_start3A_378 = tpu.memref_slice %dma_start3A_375[%dma_start3A_376, %dma_start3A_377] : memref<100x128xf32, #tpu.memory_space<vmem>> -> memref<50x128xf32, #tpu.memory_space<vmem>>
      %dma_start3A_379 = arith.constant 0 : i32
      %dma_start3A_380 = arith.constant 0 : i32
      %dma_start3A_381 = tpu.memref_slice %arg4[%add3A_369, %dma_start3A_379, %dma_start3A_380] : memref<4096x50x128xf32, #tpu.memory_space<hbm>> -> memref<1x50x128xf32, #tpu.memory_space<hbm>>
      %dma_start3A_382 = tpu.memref_squeeze %dma_start3A_381 : memref<1x50x128xf32, #tpu.memory_space<hbm>> -> memref<50x128xf32, #tpu.memory_space<hbm>>
      %dma_start3A_383 = tpu.memref_slice %arg8[%dma_start3A_371] : memref<8x!tpu.dma_semaphore, #tpu.memory_space<semaphore_mem>> -> memref<1x!tpu.dma_semaphore, #tpu.memory_space<semaphore_mem>>
      %dma_start3A_384 = tpu.memref_squeeze %dma_start3A_383 : memref<1x!tpu.dma_semaphore, #tpu.memory_space<semaphore_mem>> -> memref<!tpu.dma_semaphore, #tpu.memory_space<semaphore_mem>>
      %dma_start3A_385 = arith.constant 0 : i32
      %dma_start3A_386 = arith.constant 0 : i32
      %dma_start3A_387 = tpu.memref_slice %arg4[%add3A_369, %dma_start3A_385, %dma_start3A_386] : memref<4096x50x128xf32, #tpu.memory_space<hbm>> -> memref<1x50x128xf32, #tpu.memory_space<hbm>>
      %dma_start3A_388 = tpu.memref_squeeze %dma_start3A_387 : memref<1x50x128xf32, #tpu.memory_space<hbm>> -> memref<50x128xf32, #tpu.memory_space<hbm>>
      %dma_start3A_389 = arith.constant 0 : i32
      %dma_start3A_390 = arith.constant 0 : i32
      %dma_start3A_391 = tpu.memref_slice %arg6[%dma_start3A_370, %dma_start3A_389, %dma_start3A_390] : memref<8x100x128xf32, #tpu.memory_space<vmem>> -> memref<1x100x128xf32, #tpu.memory_space<vmem>>
      %dma_start3A_392 = tpu.memref_squeeze %dma_start3A_391 : memref<1x100x128xf32, #tpu.memory_space<vmem>> -> memref<100x128xf32, #tpu.memory_space<vmem>>
      %dma_start3A_393 = arith.constant 50 : i32
      %dma_start3A_394 = arith.constant 0 : i32
      %dma_start3A_395 = tpu.memref_slice %dma_start3A_392[%dma_start3A_393, %dma_start3A_394] : memref<100x128xf32, #tpu.memory_space<vmem>> -> memref<50x128xf32, #tpu.memory_space<vmem>>
      tpu.enqueue_dma source(%dma_start3A_395 : memref<50x128xf32, #tpu.memory_space<vmem>>) target(%dma_start3A_388 : memref<50x128xf32, #tpu.memory_space<hbm>>) target_semaphore(%dma_start3A_384 : memref<!tpu.dma_semaphore, #tpu.memory_space<semaphore_mem>>)
      %gt3A_396 = arith.constant 0 : i32
      %gt3A_397 = arith.cmpi sgt, %scan3A_216, %gt3A_396 : i32
      %convert_element_type3A_398 = arith.extui %gt3A_397 : i1 to i32
      %cond3A_399 = arith.constant 0 : i32
      %cond3A_400 = arith.cmpi ne, %convert_element_type3A_398, %cond3A_399 : i32
      scf.if %cond3A_400 {
        %sub3A_1312 = arith.constant 2 : i32
        %sub3A_1313 = arith.subi %add3A_319, %sub3A_1312 : i32
        %mul3A_1314 = arith.constant 2 : i32
        %mul3A_1315 = arith.muli %sub3A_1313, %mul3A_1314 : i32
        %add3A_1316 = arith.addi %mul3A_2, %mul3A_1315 : i32
        %add3A_1317 = arith.constant 0 : i32
        %add3A_1318 = arith.addi %add3A_1316, %add3A_1317 : i32
        %dma_wait3A_1319 = arith.constant 7 : i32
        %dma_wait3A_1320 = arith.constant 7 : i32
        %dma_wait3A_1321 = arith.constant 0 : i32
        %dma_wait3A_1322 = arith.constant 0 : i32
        %dma_wait3A_1323 = tpu.memref_slice %arg6[%dma_wait3A_1319, %dma_wait3A_1321, %dma_wait3A_1322] : memref<8x100x128xf32, #tpu.memory_space<vmem>> -> memref<1x100x128xf32, #tpu.memory_space<vmem>>
        %dma_wait3A_1324 = tpu.memref_squeeze %dma_wait3A_1323 : memref<1x100x128xf32, #tpu.memory_space<vmem>> -> memref<100x128xf32, #tpu.memory_space<vmem>>
        %dma_wait3A_1325 = arith.constant 0 : i32
        %dma_wait3A_1326 = arith.constant 0 : i32
        %dma_wait3A_1327 = tpu.memref_slice %dma_wait3A_1324[%dma_wait3A_1325, %dma_wait3A_1326] : memref<100x128xf32, #tpu.memory_space<vmem>> -> memref<50x128xf32, #tpu.memory_space<vmem>>
        %dma_wait3A_1328 = arith.constant 0 : i32
        %dma_wait3A_1329 = arith.constant 0 : i32
        %dma_wait3A_1330 = tpu.memref_slice %arg4[%add3A_1318, %dma_wait3A_1328, %dma_wait3A_1329] : memref<4096x50x128xf32, #tpu.memory_space<hbm>> -> memref<1x50x128xf32, #tpu.memory_space<hbm>>
        %dma_wait3A_1331 = tpu.memref_squeeze %dma_wait3A_1330 : memref<1x50x128xf32, #tpu.memory_space<hbm>> -> memref<50x128xf32, #tpu.memory_space<hbm>>
        %dma_wait3A_1332 = tpu.memref_slice %arg8[%dma_wait3A_1320] : memref<8x!tpu.dma_semaphore, #tpu.memory_space<semaphore_mem>> -> memref<1x!tpu.dma_semaphore, #tpu.memory_space<semaphore_mem>>
        %dma_wait3A_1333 = tpu.memref_squeeze %dma_wait3A_1332 : memref<1x!tpu.dma_semaphore, #tpu.memory_space<semaphore_mem>> -> memref<!tpu.dma_semaphore, #tpu.memory_space<semaphore_mem>>
        %dma_wait3A_1334 = arith.constant 0 : i32
        %dma_wait3A_1335 = arith.constant 0 : i32
        %dma_wait3A_1336 = tpu.memref_slice %arg4[%add3A_1318, %dma_wait3A_1334, %dma_wait3A_1335] : memref<4096x50x128xf32, #tpu.memory_space<hbm>> -> memref<1x50x128xf32, #tpu.memory_space<hbm>>
        %dma_wait3A_1337 = tpu.memref_squeeze %dma_wait3A_1336 : memref<1x50x128xf32, #tpu.memory_space<hbm>> -> memref<50x128xf32, #tpu.memory_space<hbm>>
        %dma_wait3A_1338 = arith.constant 0 : i32
        %dma_wait3A_1339 = arith.constant 0 : i32
        %dma_wait3A_1340 = tpu.memref_slice %arg6[%dma_wait3A_1319, %dma_wait3A_1338, %dma_wait3A_1339] : memref<8x100x128xf32, #tpu.memory_space<vmem>> -> memref<1x100x128xf32, #tpu.memory_space<vmem>>
        %dma_wait3A_1341 = tpu.memref_squeeze %dma_wait3A_1340 : memref<1x100x128xf32, #tpu.memory_space<vmem>> -> memref<100x128xf32, #tpu.memory_space<vmem>>
        %dma_wait3A_1342 = arith.constant 0 : i32
        %dma_wait3A_1343 = arith.constant 0 : i32
        %dma_wait3A_1344 = tpu.memref_slice %dma_wait3A_1341[%dma_wait3A_1342, %dma_wait3A_1343] : memref<100x128xf32, #tpu.memory_space<vmem>> -> memref<50x128xf32, #tpu.memory_space<vmem>>
        tpu.wait_dma2 semaphore(%dma_wait3A_1333 : memref<!tpu.dma_semaphore, #tpu.memory_space<semaphore_mem>>) src(%dma_wait3A_1344 : memref<50x128xf32, #tpu.memory_space<vmem>>) dst(%dma_wait3A_1337 : memref<50x128xf32, #tpu.memory_space<hbm>>)
        %mul3A_1345 = arith.constant 2 : i32
        %mul3A_1346 = arith.muli %sub3A_1313, %mul3A_1345 : i32
        %add3A_1347 = arith.addi %mul3A_2, %mul3A_1346 : i32
        %add3A_1348 = arith.constant 1 : i32
        %add3A_1349 = arith.addi %add3A_1347, %add3A_1348 : i32
        %dma_wait3A_1350 = arith.constant 7 : i32
        %dma_wait3A_1351 = arith.constant 7 : i32
        %dma_wait3A_1352 = arith.constant 0 : i32
        %dma_wait3A_1353 = arith.constant 0 : i32
        %dma_wait3A_1354 = tpu.memref_slice %arg6[%dma_wait3A_1350, %dma_wait3A_1352, %dma_wait3A_1353] : memref<8x100x128xf32, #tpu.memory_space<vmem>> -> memref<1x100x128xf32, #tpu.memory_space<vmem>>
        %dma_wait3A_1355 = tpu.memref_squeeze %dma_wait3A_1354 : memref<1x100x128xf32, #tpu.memory_space<vmem>> -> memref<100x128xf32, #tpu.memory_space<vmem>>
        %dma_wait3A_1356 = arith.constant 50 : i32
        %dma_wait3A_1357 = arith.constant 0 : i32
        %dma_wait3A_1358 = tpu.memref_slice %dma_wait3A_1355[%dma_wait3A_1356, %dma_wait3A_1357] : memref<100x128xf32, #tpu.memory_space<vmem>> -> memref<50x128xf32, #tpu.memory_space<vmem>>
        %dma_wait3A_1359 = arith.constant 0 : i32
        %dma_wait3A_1360 = arith.constant 0 : i32
        %dma_wait3A_1361 = tpu.memref_slice %arg4[%add3A_1349, %dma_wait3A_1359, %dma_wait3A_1360] : memref<4096x50x128xf32, #tpu.memory_space<hbm>> -> memref<1x50x128xf32, #tpu.memory_space<hbm>>
        %dma_wait3A_1362 = tpu.memref_squeeze %dma_wait3A_1361 : memref<1x50x128xf32, #tpu.memory_space<hbm>> -> memref<50x128xf32, #tpu.memory_space<hbm>>
        %dma_wait3A_1363 = tpu.memref_slice %arg8[%dma_wait3A_1351] : memref<8x!tpu.dma_semaphore, #tpu.memory_space<semaphore_mem>> -> memref<1x!tpu.dma_semaphore, #tpu.memory_space<semaphore_mem>>
        %dma_wait3A_1364 = tpu.memref_squeeze %dma_wait3A_1363 : memref<1x!tpu.dma_semaphore, #tpu.memory_space<semaphore_mem>> -> memref<!tpu.dma_semaphore, #tpu.memory_space<semaphore_mem>>
        %dma_wait3A_1365 = arith.constant 0 : i32
        %dma_wait3A_1366 = arith.constant 0 : i32
        %dma_wait3A_1367 = tpu.memref_slice %arg4[%add3A_1349, %dma_wait3A_1365, %dma_wait3A_1366] : memref<4096x50x128xf32, #tpu.memory_space<hbm>> -> memref<1x50x128xf32, #tpu.memory_space<hbm>>
        %dma_wait3A_1368 = tpu.memref_squeeze %dma_wait3A_1367 : memref<1x50x128xf32, #tpu.memory_space<hbm>> -> memref<50x128xf32, #tpu.memory_space<hbm>>
        %dma_wait3A_1369 = arith.constant 0 : i32
        %dma_wait3A_1370 = arith.constant 0 : i32
        %dma_wait3A_1371 = tpu.memref_slice %arg6[%dma_wait3A_1350, %dma_wait3A_1369, %dma_wait3A_1370] : memref<8x100x128xf32, #tpu.memory_space<vmem>> -> memref<1x100x128xf32, #tpu.memory_space<vmem>>
        %dma_wait3A_1372 = tpu.memref_squeeze %dma_wait3A_1371 : memref<1x100x128xf32, #tpu.memory_space<vmem>> -> memref<100x128xf32, #tpu.memory_space<vmem>>
        %dma_wait3A_1373 = arith.constant 50 : i32
        %dma_wait3A_1374 = arith.constant 0 : i32
        %dma_wait3A_1375 = tpu.memref_slice %dma_wait3A_1372[%dma_wait3A_1373, %dma_wait3A_1374] : memref<100x128xf32, #tpu.memory_space<vmem>> -> memref<50x128xf32, #tpu.memory_space<vmem>>
        tpu.wait_dma2 semaphore(%dma_wait3A_1364 : memref<!tpu.dma_semaphore, #tpu.memory_space<semaphore_mem>>) src(%dma_wait3A_1375 : memref<50x128xf32, #tpu.memory_space<vmem>>) dst(%dma_wait3A_1368 : memref<50x128xf32, #tpu.memory_space<hbm>>)
      } else {
      }
      %add3A_401 = arith.constant 8 : i32
      %add3A_402 = arith.addi %add3A_319, %add3A_401 : i32
      %sub3A_403 = arith.constant 2 : i32
      %sub3A_404 = arith.subi %add3A_402, %sub3A_403 : i32
      %dma_start3A_405 = arith.constant 7 : i32
      %dma_start3A_406 = arith.constant 7 : i32
      %dma_start3A_407 = arith.constant 0 : i32
      %dma_start3A_408 = arith.constant 0 : i32
      %dma_start3A_409 = tpu.memref_slice %arg6[%dma_start3A_405, %dma_start3A_407, %dma_start3A_408] : memref<8x100x128xf32, #tpu.memory_space<vmem>> -> memref<1x100x128xf32, #tpu.memory_space<vmem>>
      %dma_start3A_410 = tpu.memref_squeeze %dma_start3A_409 : memref<1x100x128xf32, #tpu.memory_space<vmem>> -> memref<100x128xf32, #tpu.memory_space<vmem>>
      %dma_start3A_411 = arith.constant 0 : i32
      %dma_start3A_412 = tpu.memref_slice %arg5[%sub3A_404, %dma_start3A_411] : memref<64x100xi32, #tpu.memory_space<vmem>> -> memref<1x100xi32, #tpu.memory_space<vmem>>
      %dma_start3A_413 = tpu.memref_squeeze %dma_start3A_412 : memref<1x100xi32, #tpu.memory_space<vmem>> -> memref<100xi32, #tpu.memory_space<vmem>>
      %dma_start3A_414 = arith.constant 0 : i32
      %dma_start3A_415 = arith.constant 0 : i32
      %dma_start3A_416 = tpu.memref_slice %arg3[%dma_start3A_414, %dma_start3A_415] : memref<100000x128xf32, #tpu.memory_space<hbm>> -> memref<100000x128xf32, #tpu.memory_space<hbm>>
      %dma_start3A_417 = tpu.memref_slice %arg7[%dma_start3A_406] : memref<8x!tpu.dma_semaphore, #tpu.memory_space<semaphore_mem>> -> memref<1x!tpu.dma_semaphore, #tpu.memory_space<semaphore_mem>>
      %dma_start3A_418 = tpu.memref_squeeze %dma_start3A_417 : memref<1x!tpu.dma_semaphore, #tpu.memory_space<semaphore_mem>> -> memref<!tpu.dma_semaphore, #tpu.memory_space<semaphore_mem>>
      tpu.enqueue_indirect_dma source(%dma_start3A_416 : memref<100000x128xf32, #tpu.memory_space<hbm>>) target(%dma_start3A_410 : memref<100x128xf32, #tpu.memory_space<vmem>>) offsets(%dma_start3A_413 : memref<100xi32, #tpu.memory_space<vmem>>) semaphore(%dma_start3A_418 : memref<!tpu.dma_semaphore, #tpu.memory_space<semaphore_mem>>)
      %mul3A_419 = arith.constant 8 : i32
      %mul3A_420 = arith.muli %scan3A_216, %mul3A_419 : i32
      %add3A_421 = arith.constant 2 : i32
      %add3A_422 = arith.addi %mul3A_420, %add3A_421 : i32
      %dma_wait3A_423 = arith.constant 2 : i32
      %dma_wait3A_424 = arith.constant 2 : i32
      %dma_wait3A_425 = arith.constant 0 : i32
      %dma_wait3A_426 = arith.constant 0 : i32
      %dma_wait3A_427 = tpu.memref_slice %arg6[%dma_wait3A_423, %dma_wait3A_425, %dma_wait3A_426] : memref<8x100x128xf32, #tpu.memory_space<vmem>> -> memref<1x100x128xf32, #tpu.memory_space<vmem>>
      %dma_wait3A_428 = tpu.memref_squeeze %dma_wait3A_427 : memref<1x100x128xf32, #tpu.memory_space<vmem>> -> memref<100x128xf32, #tpu.memory_space<vmem>>
      %dma_wait3A_429 = arith.constant 0 : i32
      %dma_wait3A_430 = tpu.memref_slice %arg5[%add3A_422, %dma_wait3A_429] : memref<64x100xi32, #tpu.memory_space<vmem>> -> memref<1x100xi32, #tpu.memory_space<vmem>>
      %dma_wait3A_431 = tpu.memref_squeeze %dma_wait3A_430 : memref<1x100xi32, #tpu.memory_space<vmem>> -> memref<100xi32, #tpu.memory_space<vmem>>
      %dma_wait3A_432 = arith.constant 0 : i32
      %dma_wait3A_433 = arith.constant 0 : i32
      %dma_wait3A_434 = tpu.memref_slice %arg3[%dma_wait3A_432, %dma_wait3A_433] : memref<100000x128xf32, #tpu.memory_space<hbm>> -> memref<100000x128xf32, #tpu.memory_space<hbm>>
      %dma_wait3A_435 = tpu.memref_slice %arg7[%dma_wait3A_424] : memref<8x!tpu.dma_semaphore, #tpu.memory_space<semaphore_mem>> -> memref<1x!tpu.dma_semaphore, #tpu.memory_space<semaphore_mem>>
      %dma_wait3A_436 = tpu.memref_squeeze %dma_wait3A_435 : memref<1x!tpu.dma_semaphore, #tpu.memory_space<semaphore_mem>> -> memref<!tpu.dma_semaphore, #tpu.memory_space<semaphore_mem>>
      tpu.wait_indirect_dma semaphore(%dma_wait3A_436 : memref<!tpu.dma_semaphore, #tpu.memory_space<semaphore_mem>>) src(%dma_wait3A_434 : memref<100000x128xf32, #tpu.memory_space<hbm>>) dst(%dma_wait3A_428 : memref<100x128xf32, #tpu.memory_space<vmem>>)
      %mul3A_437 = arith.constant 2 : i32
      %mul3A_438 = arith.muli %add3A_422, %mul3A_437 : i32
      %add3A_439 = arith.addi %mul3A_2, %mul3A_438 : i32
      %add3A_440 = arith.constant 0 : i32
      %add3A_441 = arith.addi %add3A_439, %add3A_440 : i32
      %dma_start3A_442 = arith.constant 2 : i32
      %dma_start3A_443 = arith.constant 2 : i32
      %dma_start3A_444 = arith.constant 0 : i32
      %dma_start3A_445 = arith.constant 0 : i32
      %dma_start3A_446 = tpu.memref_slice %arg6[%dma_start3A_442, %dma_start3A_444, %dma_start3A_445] : memref<8x100x128xf32, #tpu.memory_space<vmem>> -> memref<1x100x128xf32, #tpu.memory_space<vmem>>
      %dma_start3A_447 = tpu.memref_squeeze %dma_start3A_446 : memref<1x100x128xf32, #tpu.memory_space<vmem>> -> memref<100x128xf32, #tpu.memory_space<vmem>>
      %dma_start3A_448 = arith.constant 0 : i32
      %dma_start3A_449 = arith.constant 0 : i32
      %dma_start3A_450 = tpu.memref_slice %dma_start3A_447[%dma_start3A_448, %dma_start3A_449] : memref<100x128xf32, #tpu.memory_space<vmem>> -> memref<50x128xf32, #tpu.memory_space<vmem>>
      %dma_start3A_451 = arith.constant 0 : i32
      %dma_start3A_452 = arith.constant 0 : i32
      %dma_start3A_453 = tpu.memref_slice %arg4[%add3A_441, %dma_start3A_451, %dma_start3A_452] : memref<4096x50x128xf32, #tpu.memory_space<hbm>> -> memref<1x50x128xf32, #tpu.memory_space<hbm>>
      %dma_start3A_454 = tpu.memref_squeeze %dma_start3A_453 : memref<1x50x128xf32, #tpu.memory_space<hbm>> -> memref<50x128xf32, #tpu.memory_space<hbm>>
      %dma_start3A_455 = tpu.memref_slice %arg8[%dma_start3A_443] : memref<8x!tpu.dma_semaphore, #tpu.memory_space<semaphore_mem>> -> memref<1x!tpu.dma_semaphore, #tpu.memory_space<semaphore_mem>>
      %dma_start3A_456 = tpu.memref_squeeze %dma_start3A_455 : memref<1x!tpu.dma_semaphore, #tpu.memory_space<semaphore_mem>> -> memref<!tpu.dma_semaphore, #tpu.memory_space<semaphore_mem>>
      %dma_start3A_457 = arith.constant 0 : i32
      %dma_start3A_458 = arith.constant 0 : i32
      %dma_start3A_459 = tpu.memref_slice %arg4[%add3A_441, %dma_start3A_457, %dma_start3A_458] : memref<4096x50x128xf32, #tpu.memory_space<hbm>> -> memref<1x50x128xf32, #tpu.memory_space<hbm>>
      %dma_start3A_460 = tpu.memref_squeeze %dma_start3A_459 : memref<1x50x128xf32, #tpu.memory_space<hbm>> -> memref<50x128xf32, #tpu.memory_space<hbm>>
      %dma_start3A_461 = arith.constant 0 : i32
      %dma_start3A_462 = arith.constant 0 : i32
      %dma_start3A_463 = tpu.memref_slice %arg6[%dma_start3A_442, %dma_start3A_461, %dma_start3A_462] : memref<8x100x128xf32, #tpu.memory_space<vmem>> -> memref<1x100x128xf32, #tpu.memory_space<vmem>>
      %dma_start3A_464 = tpu.memref_squeeze %dma_start3A_463 : memref<1x100x128xf32, #tpu.memory_space<vmem>> -> memref<100x128xf32, #tpu.memory_space<vmem>>
      %dma_start3A_465 = arith.constant 0 : i32
      %dma_start3A_466 = arith.constant 0 : i32
      %dma_start3A_467 = tpu.memref_slice %dma_start3A_464[%dma_start3A_465, %dma_start3A_466] : memref<100x128xf32, #tpu.memory_space<vmem>> -> memref<50x128xf32, #tpu.memory_space<vmem>>
      tpu.enqueue_dma source(%dma_start3A_467 : memref<50x128xf32, #tpu.memory_space<vmem>>) target(%dma_start3A_460 : memref<50x128xf32, #tpu.memory_space<hbm>>) target_semaphore(%dma_start3A_456 : memref<!tpu.dma_semaphore, #tpu.memory_space<semaphore_mem>>)
      %mul3A_468 = arith.constant 2 : i32
      %mul3A_469 = arith.muli %add3A_422, %mul3A_468 : i32
      %add3A_470 = arith.addi %mul3A_2, %mul3A_469 : i32
      %add3A_471 = arith.constant 1 : i32
      %add3A_472 = arith.addi %add3A_470, %add3A_471 : i32
      %dma_start3A_473 = arith.constant 2 : i32
      %dma_start3A_474 = arith.constant 2 : i32
      %dma_start3A_475 = arith.constant 0 : i32
      %dma_start3A_476 = arith.constant 0 : i32
      %dma_start3A_477 = tpu.memref_slice %arg6[%dma_start3A_473, %dma_start3A_475, %dma_start3A_476] : memref<8x100x128xf32, #tpu.memory_space<vmem>> -> memref<1x100x128xf32, #tpu.memory_space<vmem>>
      %dma_start3A_478 = tpu.memref_squeeze %dma_start3A_477 : memref<1x100x128xf32, #tpu.memory_space<vmem>> -> memref<100x128xf32, #tpu.memory_space<vmem>>
      %dma_start3A_479 = arith.constant 50 : i32
      %dma_start3A_480 = arith.constant 0 : i32
      %dma_start3A_481 = tpu.memref_slice %dma_start3A_478[%dma_start3A_479, %dma_start3A_480] : memref<100x128xf32, #tpu.memory_space<vmem>> -> memref<50x128xf32, #tpu.memory_space<vmem>>
      %dma_start3A_482 = arith.constant 0 : i32
      %dma_start3A_483 = arith.constant 0 : i32
      %dma_start3A_484 = tpu.memref_slice %arg4[%add3A_472, %dma_start3A_482, %dma_start3A_483] : memref<4096x50x128xf32, #tpu.memory_space<hbm>> -> memref<1x50x128xf32, #tpu.memory_space<hbm>>
      %dma_start3A_485 = tpu.memref_squeeze %dma_start3A_484 : memref<1x50x128xf32, #tpu.memory_space<hbm>> -> memref<50x128xf32, #tpu.memory_space<hbm>>
      %dma_start3A_486 = tpu.memref_slice %arg8[%dma_start3A_474] : memref<8x!tpu.dma_semaphore, #tpu.memory_space<semaphore_mem>> -> memref<1x!tpu.dma_semaphore, #tpu.memory_space<semaphore_mem>>
      %dma_start3A_487 = tpu.memref_squeeze %dma_start3A_486 : memref<1x!tpu.dma_semaphore, #tpu.memory_space<semaphore_mem>> -> memref<!tpu.dma_semaphore, #tpu.memory_space<semaphore_mem>>
      %dma_start3A_488 = arith.constant 0 : i32
      %dma_start3A_489 = arith.constant 0 : i32
      %dma_start3A_490 = tpu.memref_slice %arg4[%add3A_472, %dma_start3A_488, %dma_start3A_489] : memref<4096x50x128xf32, #tpu.memory_space<hbm>> -> memref<1x50x128xf32, #tpu.memory_space<hbm>>
      %dma_start3A_491 = tpu.memref_squeeze %dma_start3A_490 : memref<1x50x128xf32, #tpu.memory_space<hbm>> -> memref<50x128xf32, #tpu.memory_space<hbm>>
      %dma_start3A_492 = arith.constant 0 : i32
      %dma_start3A_493 = arith.constant 0 : i32
      %dma_start3A_494 = tpu.memref_slice %arg6[%dma_start3A_473, %dma_start3A_492, %dma_start3A_493] : memref<8x100x128xf32, #tpu.memory_space<vmem>> -> memref<1x100x128xf32, #tpu.memory_space<vmem>>
      %dma_start3A_495 = tpu.memref_squeeze %dma_start3A_494 : memref<1x100x128xf32, #tpu.memory_space<vmem>> -> memref<100x128xf32, #tpu.memory_space<vmem>>
      %dma_start3A_496 = arith.constant 50 : i32
      %dma_start3A_497 = arith.constant 0 : i32
      %dma_start3A_498 = tpu.memref_slice %dma_start3A_495[%dma_start3A_496, %dma_start3A_497] : memref<100x128xf32, #tpu.memory_space<vmem>> -> memref<50x128xf32, #tpu.memory_space<vmem>>
      tpu.enqueue_dma source(%dma_start3A_498 : memref<50x128xf32, #tpu.memory_space<vmem>>) target(%dma_start3A_491 : memref<50x128xf32, #tpu.memory_space<hbm>>) target_semaphore(%dma_start3A_487 : memref<!tpu.dma_semaphore, #tpu.memory_space<semaphore_mem>>)
      %sub3A_499 = arith.constant 2 : i32
      %sub3A_500 = arith.subi %add3A_422, %sub3A_499 : i32
      %mul3A_501 = arith.constant 2 : i32
      %mul3A_502 = arith.muli %sub3A_500, %mul3A_501 : i32
      %add3A_503 = arith.addi %mul3A_2, %mul3A_502 : i32
      %add3A_504 = arith.constant 0 : i32
      %add3A_505 = arith.addi %add3A_503, %add3A_504 : i32
      %dma_wait3A_506 = arith.constant 0 : i32
      %dma_wait3A_507 = arith.constant 0 : i32
      %dma_wait3A_508 = arith.constant 0 : i32
      %dma_wait3A_509 = arith.constant 0 : i32
      %dma_wait3A_510 = tpu.memref_slice %arg6[%dma_wait3A_506, %dma_wait3A_508, %dma_wait3A_509] : memref<8x100x128xf32, #tpu.memory_space<vmem>> -> memref<1x100x128xf32, #tpu.memory_space<vmem>>
      %dma_wait3A_511 = tpu.memref_squeeze %dma_wait3A_510 : memref<1x100x128xf32, #tpu.memory_space<vmem>> -> memref<100x128xf32, #tpu.memory_space<vmem>>
      %dma_wait3A_512 = arith.constant 0 : i32
      %dma_wait3A_513 = arith.constant 0 : i32
      %dma_wait3A_514 = tpu.memref_slice %dma_wait3A_511[%dma_wait3A_512, %dma_wait3A_513] : memref<100x128xf32, #tpu.memory_space<vmem>> -> memref<50x128xf32, #tpu.memory_space<vmem>>
      %dma_wait3A_515 = arith.constant 0 : i32
      %dma_wait3A_516 = arith.constant 0 : i32
      %dma_wait3A_517 = tpu.memref_slice %arg4[%add3A_505, %dma_wait3A_515, %dma_wait3A_516] : memref<4096x50x128xf32, #tpu.memory_space<hbm>> -> memref<1x50x128xf32, #tpu.memory_space<hbm>>
      %dma_wait3A_518 = tpu.memref_squeeze %dma_wait3A_517 : memref<1x50x128xf32, #tpu.memory_space<hbm>> -> memref<50x128xf32, #tpu.memory_space<hbm>>
      %dma_wait3A_519 = tpu.memref_slice %arg8[%dma_wait3A_507] : memref<8x!tpu.dma_semaphore, #tpu.memory_space<semaphore_mem>> -> memref<1x!tpu.dma_semaphore, #tpu.memory_space<semaphore_mem>>
      %dma_wait3A_520 = tpu.memref_squeeze %dma_wait3A_519 : memref<1x!tpu.dma_semaphore, #tpu.memory_space<semaphore_mem>> -> memref<!tpu.dma_semaphore, #tpu.memory_space<semaphore_mem>>
      %dma_wait3A_521 = arith.constant 0 : i32
      %dma_wait3A_522 = arith.constant 0 : i32
      %dma_wait3A_523 = tpu.memref_slice %arg4[%add3A_505, %dma_wait3A_521, %dma_wait3A_522] : memref<4096x50x128xf32, #tpu.memory_space<hbm>> -> memref<1x50x128xf32, #tpu.memory_space<hbm>>
      %dma_wait3A_524 = tpu.memref_squeeze %dma_wait3A_523 : memref<1x50x128xf32, #tpu.memory_space<hbm>> -> memref<50x128xf32, #tpu.memory_space<hbm>>
      %dma_wait3A_525 = arith.constant 0 : i32
      %dma_wait3A_526 = arith.constant 0 : i32
      %dma_wait3A_527 = tpu.memref_slice %arg6[%dma_wait3A_506, %dma_wait3A_525, %dma_wait3A_526] : memref<8x100x128xf32, #tpu.memory_space<vmem>> -> memref<1x100x128xf32, #tpu.memory_space<vmem>>
      %dma_wait3A_528 = tpu.memref_squeeze %dma_wait3A_527 : memref<1x100x128xf32, #tpu.memory_space<vmem>> -> memref<100x128xf32, #tpu.memory_space<vmem>>
      %dma_wait3A_529 = arith.constant 0 : i32
      %dma_wait3A_530 = arith.constant 0 : i32
      %dma_wait3A_531 = tpu.memref_slice %dma_wait3A_528[%dma_wait3A_529, %dma_wait3A_530] : memref<100x128xf32, #tpu.memory_space<vmem>> -> memref<50x128xf32, #tpu.memory_space<vmem>>
      tpu.wait_dma2 semaphore(%dma_wait3A_520 : memref<!tpu.dma_semaphore, #tpu.memory_space<semaphore_mem>>) src(%dma_wait3A_531 : memref<50x128xf32, #tpu.memory_space<vmem>>) dst(%dma_wait3A_524 : memref<50x128xf32, #tpu.memory_space<hbm>>)
      %mul3A_532 = arith.constant 2 : i32
      %mul3A_533 = arith.muli %sub3A_500, %mul3A_532 : i32
      %add3A_534 = arith.addi %mul3A_2, %mul3A_533 : i32
      %add3A_535 = arith.constant 1 : i32
      %add3A_536 = arith.addi %add3A_534, %add3A_535 : i32
      %dma_wait3A_537 = arith.constant 0 : i32
      %dma_wait3A_538 = arith.constant 0 : i32
      %dma_wait3A_539 = arith.constant 0 : i32
      %dma_wait3A_540 = arith.constant 0 : i32
      %dma_wait3A_541 = tpu.memref_slice %arg6[%dma_wait3A_537, %dma_wait3A_539, %dma_wait3A_540] : memref<8x100x128xf32, #tpu.memory_space<vmem>> -> memref<1x100x128xf32, #tpu.memory_space<vmem>>
      %dma_wait3A_542 = tpu.memref_squeeze %dma_wait3A_541 : memref<1x100x128xf32, #tpu.memory_space<vmem>> -> memref<100x128xf32, #tpu.memory_space<vmem>>
      %dma_wait3A_543 = arith.constant 50 : i32
      %dma_wait3A_544 = arith.constant 0 : i32
      %dma_wait3A_545 = tpu.memref_slice %dma_wait3A_542[%dma_wait3A_543, %dma_wait3A_544] : memref<100x128xf32, #tpu.memory_space<vmem>> -> memref<50x128xf32, #tpu.memory_space<vmem>>
      %dma_wait3A_546 = arith.constant 0 : i32
      %dma_wait3A_547 = arith.constant 0 : i32
      %dma_wait3A_548 = tpu.memref_slice %arg4[%add3A_536, %dma_wait3A_546, %dma_wait3A_547] : memref<4096x50x128xf32, #tpu.memory_space<hbm>> -> memref<1x50x128xf32, #tpu.memory_space<hbm>>
      %dma_wait3A_549 = tpu.memref_squeeze %dma_wait3A_548 : memref<1x50x128xf32, #tpu.memory_space<hbm>> -> memref<50x128xf32, #tpu.memory_space<hbm>>
      %dma_wait3A_550 = tpu.memref_slice %arg8[%dma_wait3A_538] : memref<8x!tpu.dma_semaphore, #tpu.memory_space<semaphore_mem>> -> memref<1x!tpu.dma_semaphore, #tpu.memory_space<semaphore_mem>>
      %dma_wait3A_551 = tpu.memref_squeeze %dma_wait3A_550 : memref<1x!tpu.dma_semaphore, #tpu.memory_space<semaphore_mem>> -> memref<!tpu.dma_semaphore, #tpu.memory_space<semaphore_mem>>
      %dma_wait3A_552 = arith.constant 0 : i32
      %dma_wait3A_553 = arith.constant 0 : i32
      %dma_wait3A_554 = tpu.memref_slice %arg4[%add3A_536, %dma_wait3A_552, %dma_wait3A_553] : memref<4096x50x128xf32, #tpu.memory_space<hbm>> -> memref<1x50x128xf32, #tpu.memory_space<hbm>>
      %dma_wait3A_555 = tpu.memref_squeeze %dma_wait3A_554 : memref<1x50x128xf32, #tpu.memory_space<hbm>> -> memref<50x128xf32, #tpu.memory_space<hbm>>
      %dma_wait3A_556 = arith.constant 0 : i32
      %dma_wait3A_557 = arith.constant 0 : i32
      %dma_wait3A_558 = tpu.memref_slice %arg6[%dma_wait3A_537, %dma_wait3A_556, %dma_wait3A_557] : memref<8x100x128xf32, #tpu.memory_space<vmem>> -> memref<1x100x128xf32, #tpu.memory_space<vmem>>
      %dma_wait3A_559 = tpu.memref_squeeze %dma_wait3A_558 : memref<1x100x128xf32, #tpu.memory_space<vmem>> -> memref<100x128xf32, #tpu.memory_space<vmem>>
      %dma_wait3A_560 = arith.constant 50 : i32
      %dma_wait3A_561 = arith.constant 0 : i32
      %dma_wait3A_562 = tpu.memref_slice %dma_wait3A_559[%dma_wait3A_560, %dma_wait3A_561] : memref<100x128xf32, #tpu.memory_space<vmem>> -> memref<50x128xf32, #tpu.memory_space<vmem>>
      tpu.wait_dma2 semaphore(%dma_wait3A_551 : memref<!tpu.dma_semaphore, #tpu.memory_space<semaphore_mem>>) src(%dma_wait3A_562 : memref<50x128xf32, #tpu.memory_space<vmem>>) dst(%dma_wait3A_555 : memref<50x128xf32, #tpu.memory_space<hbm>>)
      %lt3A = arith.constant 7 : i32
      %lt3A_563 = arith.cmpi slt, %scan3A_216, %lt3A : i32
      %convert_element_type3A_564 = arith.extui %lt3A_563 : i1 to i32
      %cond3A_565 = arith.constant 0 : i32
      %cond3A_566 = arith.cmpi ne, %convert_element_type3A_564, %cond3A_565 : i32
      scf.if %cond3A_566 {
        %add3A_1312 = arith.constant 8 : i32
        %add3A_1313 = arith.addi %add3A_422, %add3A_1312 : i32
        %sub3A_1314 = arith.constant 2 : i32
        %sub3A_1315 = arith.subi %add3A_1313, %sub3A_1314 : i32
        %dma_start3A_1316 = arith.constant 0 : i32
        %dma_start3A_1317 = arith.constant 0 : i32
        %dma_start3A_1318 = arith.constant 0 : i32
        %dma_start3A_1319 = arith.constant 0 : i32
        %dma_start3A_1320 = tpu.memref_slice %arg6[%dma_start3A_1316, %dma_start3A_1318, %dma_start3A_1319] : memref<8x100x128xf32, #tpu.memory_space<vmem>> -> memref<1x100x128xf32, #tpu.memory_space<vmem>>
        %dma_start3A_1321 = tpu.memref_squeeze %dma_start3A_1320 : memref<1x100x128xf32, #tpu.memory_space<vmem>> -> memref<100x128xf32, #tpu.memory_space<vmem>>
        %dma_start3A_1322 = arith.constant 0 : i32
        %dma_start3A_1323 = tpu.memref_slice %arg5[%sub3A_1315, %dma_start3A_1322] : memref<64x100xi32, #tpu.memory_space<vmem>> -> memref<1x100xi32, #tpu.memory_space<vmem>>
        %dma_start3A_1324 = tpu.memref_squeeze %dma_start3A_1323 : memref<1x100xi32, #tpu.memory_space<vmem>> -> memref<100xi32, #tpu.memory_space<vmem>>
        %dma_start3A_1325 = arith.constant 0 : i32
        %dma_start3A_1326 = arith.constant 0 : i32
        %dma_start3A_1327 = tpu.memref_slice %arg3[%dma_start3A_1325, %dma_start3A_1326] : memref<100000x128xf32, #tpu.memory_space<hbm>> -> memref<100000x128xf32, #tpu.memory_space<hbm>>
        %dma_start3A_1328 = tpu.memref_slice %arg7[%dma_start3A_1317] : memref<8x!tpu.dma_semaphore, #tpu.memory_space<semaphore_mem>> -> memref<1x!tpu.dma_semaphore, #tpu.memory_space<semaphore_mem>>
        %dma_start3A_1329 = tpu.memref_squeeze %dma_start3A_1328 : memref<1x!tpu.dma_semaphore, #tpu.memory_space<semaphore_mem>> -> memref<!tpu.dma_semaphore, #tpu.memory_space<semaphore_mem>>
        tpu.enqueue_indirect_dma source(%dma_start3A_1327 : memref<100000x128xf32, #tpu.memory_space<hbm>>) target(%dma_start3A_1321 : memref<100x128xf32, #tpu.memory_space<vmem>>) offsets(%dma_start3A_1324 : memref<100xi32, #tpu.memory_space<vmem>>) semaphore(%dma_start3A_1329 : memref<!tpu.dma_semaphore, #tpu.memory_space<semaphore_mem>>)
      } else {
      }
      %mul3A_567 = arith.constant 8 : i32
      %mul3A_568 = arith.muli %scan3A_216, %mul3A_567 : i32
      %add3A_569 = arith.constant 3 : i32
      %add3A_570 = arith.addi %mul3A_568, %add3A_569 : i32
      %dma_wait3A_571 = arith.constant 3 : i32
      %dma_wait3A_572 = arith.constant 3 : i32
      %dma_wait3A_573 = arith.constant 0 : i32
      %dma_wait3A_574 = arith.constant 0 : i32
      %dma_wait3A_575 = tpu.memref_slice %arg6[%dma_wait3A_571, %dma_wait3A_573, %dma_wait3A_574] : memref<8x100x128xf32, #tpu.memory_space<vmem>> -> memref<1x100x128xf32, #tpu.memory_space<vmem>>
      %dma_wait3A_576 = tpu.memref_squeeze %dma_wait3A_575 : memref<1x100x128xf32, #tpu.memory_space<vmem>> -> memref<100x128xf32, #tpu.memory_space<vmem>>
      %dma_wait3A_577 = arith.constant 0 : i32
      %dma_wait3A_578 = tpu.memref_slice %arg5[%add3A_570, %dma_wait3A_577] : memref<64x100xi32, #tpu.memory_space<vmem>> -> memref<1x100xi32, #tpu.memory_space<vmem>>
      %dma_wait3A_579 = tpu.memref_squeeze %dma_wait3A_578 : memref<1x100xi32, #tpu.memory_space<vmem>> -> memref<100xi32, #tpu.memory_space<vmem>>
      %dma_wait3A_580 = arith.constant 0 : i32
      %dma_wait3A_581 = arith.constant 0 : i32
      %dma_wait3A_582 = tpu.memref_slice %arg3[%dma_wait3A_580, %dma_wait3A_581] : memref<100000x128xf32, #tpu.memory_space<hbm>> -> memref<100000x128xf32, #tpu.memory_space<hbm>>
      %dma_wait3A_583 = tpu.memref_slice %arg7[%dma_wait3A_572] : memref<8x!tpu.dma_semaphore, #tpu.memory_space<semaphore_mem>> -> memref<1x!tpu.dma_semaphore, #tpu.memory_space<semaphore_mem>>
      %dma_wait3A_584 = tpu.memref_squeeze %dma_wait3A_583 : memref<1x!tpu.dma_semaphore, #tpu.memory_space<semaphore_mem>> -> memref<!tpu.dma_semaphore, #tpu.memory_space<semaphore_mem>>
      tpu.wait_indirect_dma semaphore(%dma_wait3A_584 : memref<!tpu.dma_semaphore, #tpu.memory_space<semaphore_mem>>) src(%dma_wait3A_582 : memref<100000x128xf32, #tpu.memory_space<hbm>>) dst(%dma_wait3A_576 : memref<100x128xf32, #tpu.memory_space<vmem>>)
      %mul3A_585 = arith.constant 2 : i32
      %mul3A_586 = arith.muli %add3A_570, %mul3A_585 : i32
      %add3A_587 = arith.addi %mul3A_2, %mul3A_586 : i32
      %add3A_588 = arith.constant 0 : i32
      %add3A_589 = arith.addi %add3A_587, %add3A_588 : i32
      %dma_start3A_590 = arith.constant 3 : i32
      %dma_start3A_591 = arith.constant 3 : i32
      %dma_start3A_592 = arith.constant 0 : i32
      %dma_start3A_593 = arith.constant 0 : i32
      %dma_start3A_594 = tpu.memref_slice %arg6[%dma_start3A_590, %dma_start3A_592, %dma_start3A_593] : memref<8x100x128xf32, #tpu.memory_space<vmem>> -> memref<1x100x128xf32, #tpu.memory_space<vmem>>
      %dma_start3A_595 = tpu.memref_squeeze %dma_start3A_594 : memref<1x100x128xf32, #tpu.memory_space<vmem>> -> memref<100x128xf32, #tpu.memory_space<vmem>>
      %dma_start3A_596 = arith.constant 0 : i32
      %dma_start3A_597 = arith.constant 0 : i32
      %dma_start3A_598 = tpu.memref_slice %dma_start3A_595[%dma_start3A_596, %dma_start3A_597] : memref<100x128xf32, #tpu.memory_space<vmem>> -> memref<50x128xf32, #tpu.memory_space<vmem>>
      %dma_start3A_599 = arith.constant 0 : i32
      %dma_start3A_600 = arith.constant 0 : i32
      %dma_start3A_601 = tpu.memref_slice %arg4[%add3A_589, %dma_start3A_599, %dma_start3A_600] : memref<4096x50x128xf32, #tpu.memory_space<hbm>> -> memref<1x50x128xf32, #tpu.memory_space<hbm>>
      %dma_start3A_602 = tpu.memref_squeeze %dma_start3A_601 : memref<1x50x128xf32, #tpu.memory_space<hbm>> -> memref<50x128xf32, #tpu.memory_space<hbm>>
      %dma_start3A_603 = tpu.memref_slice %arg8[%dma_start3A_591] : memref<8x!tpu.dma_semaphore, #tpu.memory_space<semaphore_mem>> -> memref<1x!tpu.dma_semaphore, #tpu.memory_space<semaphore_mem>>
      %dma_start3A_604 = tpu.memref_squeeze %dma_start3A_603 : memref<1x!tpu.dma_semaphore, #tpu.memory_space<semaphore_mem>> -> memref<!tpu.dma_semaphore, #tpu.memory_space<semaphore_mem>>
      %dma_start3A_605 = arith.constant 0 : i32
      %dma_start3A_606 = arith.constant 0 : i32
      %dma_start3A_607 = tpu.memref_slice %arg4[%add3A_589, %dma_start3A_605, %dma_start3A_606] : memref<4096x50x128xf32, #tpu.memory_space<hbm>> -> memref<1x50x128xf32, #tpu.memory_space<hbm>>
      %dma_start3A_608 = tpu.memref_squeeze %dma_start3A_607 : memref<1x50x128xf32, #tpu.memory_space<hbm>> -> memref<50x128xf32, #tpu.memory_space<hbm>>
      %dma_start3A_609 = arith.constant 0 : i32
      %dma_start3A_610 = arith.constant 0 : i32
      %dma_start3A_611 = tpu.memref_slice %arg6[%dma_start3A_590, %dma_start3A_609, %dma_start3A_610] : memref<8x100x128xf32, #tpu.memory_space<vmem>> -> memref<1x100x128xf32, #tpu.memory_space<vmem>>
      %dma_start3A_612 = tpu.memref_squeeze %dma_start3A_611 : memref<1x100x128xf32, #tpu.memory_space<vmem>> -> memref<100x128xf32, #tpu.memory_space<vmem>>
      %dma_start3A_613 = arith.constant 0 : i32
      %dma_start3A_614 = arith.constant 0 : i32
      %dma_start3A_615 = tpu.memref_slice %dma_start3A_612[%dma_start3A_613, %dma_start3A_614] : memref<100x128xf32, #tpu.memory_space<vmem>> -> memref<50x128xf32, #tpu.memory_space<vmem>>
      tpu.enqueue_dma source(%dma_start3A_615 : memref<50x128xf32, #tpu.memory_space<vmem>>) target(%dma_start3A_608 : memref<50x128xf32, #tpu.memory_space<hbm>>) target_semaphore(%dma_start3A_604 : memref<!tpu.dma_semaphore, #tpu.memory_space<semaphore_mem>>)
      %mul3A_616 = arith.constant 2 : i32
      %mul3A_617 = arith.muli %add3A_570, %mul3A_616 : i32
      %add3A_618 = arith.addi %mul3A_2, %mul3A_617 : i32
      %add3A_619 = arith.constant 1 : i32
      %add3A_620 = arith.addi %add3A_618, %add3A_619 : i32
      %dma_start3A_621 = arith.constant 3 : i32
      %dma_start3A_622 = arith.constant 3 : i32
      %dma_start3A_623 = arith.constant 0 : i32
      %dma_start3A_624 = arith.constant 0 : i32
      %dma_start3A_625 = tpu.memref_slice %arg6[%dma_start3A_621, %dma_start3A_623, %dma_start3A_624] : memref<8x100x128xf32, #tpu.memory_space<vmem>> -> memref<1x100x128xf32, #tpu.memory_space<vmem>>
      %dma_start3A_626 = tpu.memref_squeeze %dma_start3A_625 : memref<1x100x128xf32, #tpu.memory_space<vmem>> -> memref<100x128xf32, #tpu.memory_space<vmem>>
      %dma_start3A_627 = arith.constant 50 : i32
      %dma_start3A_628 = arith.constant 0 : i32
      %dma_start3A_629 = tpu.memref_slice %dma_start3A_626[%dma_start3A_627, %dma_start3A_628] : memref<100x128xf32, #tpu.memory_space<vmem>> -> memref<50x128xf32, #tpu.memory_space<vmem>>
      %dma_start3A_630 = arith.constant 0 : i32
      %dma_start3A_631 = arith.constant 0 : i32
      %dma_start3A_632 = tpu.memref_slice %arg4[%add3A_620, %dma_start3A_630, %dma_start3A_631] : memref<4096x50x128xf32, #tpu.memory_space<hbm>> -> memref<1x50x128xf32, #tpu.memory_space<hbm>>
      %dma_start3A_633 = tpu.memref_squeeze %dma_start3A_632 : memref<1x50x128xf32, #tpu.memory_space<hbm>> -> memref<50x128xf32, #tpu.memory_space<hbm>>
      %dma_start3A_634 = tpu.memref_slice %arg8[%dma_start3A_622] : memref<8x!tpu.dma_semaphore, #tpu.memory_space<semaphore_mem>> -> memref<1x!tpu.dma_semaphore, #tpu.memory_space<semaphore_mem>>
      %dma_start3A_635 = tpu.memref_squeeze %dma_start3A_634 : memref<1x!tpu.dma_semaphore, #tpu.memory_space<semaphore_mem>> -> memref<!tpu.dma_semaphore, #tpu.memory_space<semaphore_mem>>
      %dma_start3A_636 = arith.constant 0 : i32
      %dma_start3A_637 = arith.constant 0 : i32
      %dma_start3A_638 = tpu.memref_slice %arg4[%add3A_620, %dma_start3A_636, %dma_start3A_637] : memref<4096x50x128xf32, #tpu.memory_space<hbm>> -> memref<1x50x128xf32, #tpu.memory_space<hbm>>
      %dma_start3A_639 = tpu.memref_squeeze %dma_start3A_638 : memref<1x50x128xf32, #tpu.memory_space<hbm>> -> memref<50x128xf32, #tpu.memory_space<hbm>>
      %dma_start3A_640 = arith.constant 0 : i32
      %dma_start3A_641 = arith.constant 0 : i32
      %dma_start3A_642 = tpu.memref_slice %arg6[%dma_start3A_621, %dma_start3A_640, %dma_start3A_641] : memref<8x100x128xf32, #tpu.memory_space<vmem>> -> memref<1x100x128xf32, #tpu.memory_space<vmem>>
      %dma_start3A_643 = tpu.memref_squeeze %dma_start3A_642 : memref<1x100x128xf32, #tpu.memory_space<vmem>> -> memref<100x128xf32, #tpu.memory_space<vmem>>
      %dma_start3A_644 = arith.constant 50 : i32
      %dma_start3A_645 = arith.constant 0 : i32
      %dma_start3A_646 = tpu.memref_slice %dma_start3A_643[%dma_start3A_644, %dma_start3A_645] : memref<100x128xf32, #tpu.memory_space<vmem>> -> memref<50x128xf32, #tpu.memory_space<vmem>>
      tpu.enqueue_dma source(%dma_start3A_646 : memref<50x128xf32, #tpu.memory_space<vmem>>) target(%dma_start3A_639 : memref<50x128xf32, #tpu.memory_space<hbm>>) target_semaphore(%dma_start3A_635 : memref<!tpu.dma_semaphore, #tpu.memory_space<semaphore_mem>>)
      %sub3A_647 = arith.constant 2 : i32
      %sub3A_648 = arith.subi %add3A_570, %sub3A_647 : i32
      %mul3A_649 = arith.constant 2 : i32
      %mul3A_650 = arith.muli %sub3A_648, %mul3A_649 : i32
      %add3A_651 = arith.addi %mul3A_2, %mul3A_650 : i32
      %add3A_652 = arith.constant 0 : i32
      %add3A_653 = arith.addi %add3A_651, %add3A_652 : i32
      %dma_wait3A_654 = arith.constant 1 : i32
      %dma_wait3A_655 = arith.constant 1 : i32
      %dma_wait3A_656 = arith.constant 0 : i32
      %dma_wait3A_657 = arith.constant 0 : i32
      %dma_wait3A_658 = tpu.memref_slice %arg6[%dma_wait3A_654, %dma_wait3A_656, %dma_wait3A_657] : memref<8x100x128xf32, #tpu.memory_space<vmem>> -> memref<1x100x128xf32, #tpu.memory_space<vmem>>
      %dma_wait3A_659 = tpu.memref_squeeze %dma_wait3A_658 : memref<1x100x128xf32, #tpu.memory_space<vmem>> -> memref<100x128xf32, #tpu.memory_space<vmem>>
      %dma_wait3A_660 = arith.constant 0 : i32
      %dma_wait3A_661 = arith.constant 0 : i32
      %dma_wait3A_662 = tpu.memref_slice %dma_wait3A_659[%dma_wait3A_660, %dma_wait3A_661] : memref<100x128xf32, #tpu.memory_space<vmem>> -> memref<50x128xf32, #tpu.memory_space<vmem>>
      %dma_wait3A_663 = arith.constant 0 : i32
      %dma_wait3A_664 = arith.constant 0 : i32
      %dma_wait3A_665 = tpu.memref_slice %arg4[%add3A_653, %dma_wait3A_663, %dma_wait3A_664] : memref<4096x50x128xf32, #tpu.memory_space<hbm>> -> memref<1x50x128xf32, #tpu.memory_space<hbm>>
      %dma_wait3A_666 = tpu.memref_squeeze %dma_wait3A_665 : memref<1x50x128xf32, #tpu.memory_space<hbm>> -> memref<50x128xf32, #tpu.memory_space<hbm>>
      %dma_wait3A_667 = tpu.memref_slice %arg8[%dma_wait3A_655] : memref<8x!tpu.dma_semaphore, #tpu.memory_space<semaphore_mem>> -> memref<1x!tpu.dma_semaphore, #tpu.memory_space<semaphore_mem>>
      %dma_wait3A_668 = tpu.memref_squeeze %dma_wait3A_667 : memref<1x!tpu.dma_semaphore, #tpu.memory_space<semaphore_mem>> -> memref<!tpu.dma_semaphore, #tpu.memory_space<semaphore_mem>>
      %dma_wait3A_669 = arith.constant 0 : i32
      %dma_wait3A_670 = arith.constant 0 : i32
      %dma_wait3A_671 = tpu.memref_slice %arg4[%add3A_653, %dma_wait3A_669, %dma_wait3A_670] : memref<4096x50x128xf32, #tpu.memory_space<hbm>> -> memref<1x50x128xf32, #tpu.memory_space<hbm>>
      %dma_wait3A_672 = tpu.memref_squeeze %dma_wait3A_671 : memref<1x50x128xf32, #tpu.memory_space<hbm>> -> memref<50x128xf32, #tpu.memory_space<hbm>>
      %dma_wait3A_673 = arith.constant 0 : i32
      %dma_wait3A_674 = arith.constant 0 : i32
      %dma_wait3A_675 = tpu.memref_slice %arg6[%dma_wait3A_654, %dma_wait3A_673, %dma_wait3A_674] : memref<8x100x128xf32, #tpu.memory_space<vmem>> -> memref<1x100x128xf32, #tpu.memory_space<vmem>>
      %dma_wait3A_676 = tpu.memref_squeeze %dma_wait3A_675 : memref<1x100x128xf32, #tpu.memory_space<vmem>> -> memref<100x128xf32, #tpu.memory_space<vmem>>
      %dma_wait3A_677 = arith.constant 0 : i32
      %dma_wait3A_678 = arith.constant 0 : i32
      %dma_wait3A_679 = tpu.memref_slice %dma_wait3A_676[%dma_wait3A_677, %dma_wait3A_678] : memref<100x128xf32, #tpu.memory_space<vmem>> -> memref<50x128xf32, #tpu.memory_space<vmem>>
      tpu.wait_dma2 semaphore(%dma_wait3A_668 : memref<!tpu.dma_semaphore, #tpu.memory_space<semaphore_mem>>) src(%dma_wait3A_679 : memref<50x128xf32, #tpu.memory_space<vmem>>) dst(%dma_wait3A_672 : memref<50x128xf32, #tpu.memory_space<hbm>>)
      %mul3A_680 = arith.constant 2 : i32
      %mul3A_681 = arith.muli %sub3A_648, %mul3A_680 : i32
      %add3A_682 = arith.addi %mul3A_2, %mul3A_681 : i32
      %add3A_683 = arith.constant 1 : i32
      %add3A_684 = arith.addi %add3A_682, %add3A_683 : i32
      %dma_wait3A_685 = arith.constant 1 : i32
      %dma_wait3A_686 = arith.constant 1 : i32
      %dma_wait3A_687 = arith.constant 0 : i32
      %dma_wait3A_688 = arith.constant 0 : i32
      %dma_wait3A_689 = tpu.memref_slice %arg6[%dma_wait3A_685, %dma_wait3A_687, %dma_wait3A_688] : memref<8x100x128xf32, #tpu.memory_space<vmem>> -> memref<1x100x128xf32, #tpu.memory_space<vmem>>
      %dma_wait3A_690 = tpu.memref_squeeze %dma_wait3A_689 : memref<1x100x128xf32, #tpu.memory_space<vmem>> -> memref<100x128xf32, #tpu.memory_space<vmem>>
      %dma_wait3A_691 = arith.constant 50 : i32
      %dma_wait3A_692 = arith.constant 0 : i32
      %dma_wait3A_693 = tpu.memref_slice %dma_wait3A_690[%dma_wait3A_691, %dma_wait3A_692] : memref<100x128xf32, #tpu.memory_space<vmem>> -> memref<50x128xf32, #tpu.memory_space<vmem>>
      %dma_wait3A_694 = arith.constant 0 : i32
      %dma_wait3A_695 = arith.constant 0 : i32
      %dma_wait3A_696 = tpu.memref_slice %arg4[%add3A_684, %dma_wait3A_694, %dma_wait3A_695] : memref<4096x50x128xf32, #tpu.memory_space<hbm>> -> memref<1x50x128xf32, #tpu.memory_space<hbm>>
      %dma_wait3A_697 = tpu.memref_squeeze %dma_wait3A_696 : memref<1x50x128xf32, #tpu.memory_space<hbm>> -> memref<50x128xf32, #tpu.memory_space<hbm>>
      %dma_wait3A_698 = tpu.memref_slice %arg8[%dma_wait3A_686] : memref<8x!tpu.dma_semaphore, #tpu.memory_space<semaphore_mem>> -> memref<1x!tpu.dma_semaphore, #tpu.memory_space<semaphore_mem>>
      %dma_wait3A_699 = tpu.memref_squeeze %dma_wait3A_698 : memref<1x!tpu.dma_semaphore, #tpu.memory_space<semaphore_mem>> -> memref<!tpu.dma_semaphore, #tpu.memory_space<semaphore_mem>>
      %dma_wait3A_700 = arith.constant 0 : i32
      %dma_wait3A_701 = arith.constant 0 : i32
      %dma_wait3A_702 = tpu.memref_slice %arg4[%add3A_684, %dma_wait3A_700, %dma_wait3A_701] : memref<4096x50x128xf32, #tpu.memory_space<hbm>> -> memref<1x50x128xf32, #tpu.memory_space<hbm>>
      %dma_wait3A_703 = tpu.memref_squeeze %dma_wait3A_702 : memref<1x50x128xf32, #tpu.memory_space<hbm>> -> memref<50x128xf32, #tpu.memory_space<hbm>>
      %dma_wait3A_704 = arith.constant 0 : i32
      %dma_wait3A_705 = arith.constant 0 : i32
      %dma_wait3A_706 = tpu.memref_slice %arg6[%dma_wait3A_685, %dma_wait3A_704, %dma_wait3A_705] : memref<8x100x128xf32, #tpu.memory_space<vmem>> -> memref<1x100x128xf32, #tpu.memory_space<vmem>>
      %dma_wait3A_707 = tpu.memref_squeeze %dma_wait3A_706 : memref<1x100x128xf32, #tpu.memory_space<vmem>> -> memref<100x128xf32, #tpu.memory_space<vmem>>
      %dma_wait3A_708 = arith.constant 50 : i32
      %dma_wait3A_709 = arith.constant 0 : i32
      %dma_wait3A_710 = tpu.memref_slice %dma_wait3A_707[%dma_wait3A_708, %dma_wait3A_709] : memref<100x128xf32, #tpu.memory_space<vmem>> -> memref<50x128xf32, #tpu.memory_space<vmem>>
      tpu.wait_dma2 semaphore(%dma_wait3A_699 : memref<!tpu.dma_semaphore, #tpu.memory_space<semaphore_mem>>) src(%dma_wait3A_710 : memref<50x128xf32, #tpu.memory_space<vmem>>) dst(%dma_wait3A_703 : memref<50x128xf32, #tpu.memory_space<hbm>>)
      %lt3A_711 = arith.constant 7 : i32
      %lt3A_712 = arith.cmpi slt, %scan3A_216, %lt3A_711 : i32
      %convert_element_type3A_713 = arith.extui %lt3A_712 : i1 to i32
      %cond3A_714 = arith.constant 0 : i32
      %cond3A_715 = arith.cmpi ne, %convert_element_type3A_713, %cond3A_714 : i32
      scf.if %cond3A_715 {
        %add3A_1312 = arith.constant 8 : i32
        %add3A_1313 = arith.addi %add3A_570, %add3A_1312 : i32
        %sub3A_1314 = arith.constant 2 : i32
        %sub3A_1315 = arith.subi %add3A_1313, %sub3A_1314 : i32
        %dma_start3A_1316 = arith.constant 1 : i32
        %dma_start3A_1317 = arith.constant 1 : i32
        %dma_start3A_1318 = arith.constant 0 : i32
        %dma_start3A_1319 = arith.constant 0 : i32
        %dma_start3A_1320 = tpu.memref_slice %arg6[%dma_start3A_1316, %dma_start3A_1318, %dma_start3A_1319] : memref<8x100x128xf32, #tpu.memory_space<vmem>> -> memref<1x100x128xf32, #tpu.memory_space<vmem>>
        %dma_start3A_1321 = tpu.memref_squeeze %dma_start3A_1320 : memref<1x100x128xf32, #tpu.memory_space<vmem>> -> memref<100x128xf32, #tpu.memory_space<vmem>>
        %dma_start3A_1322 = arith.constant 0 : i32
        %dma_start3A_1323 = tpu.memref_slice %arg5[%sub3A_1315, %dma_start3A_1322] : memref<64x100xi32, #tpu.memory_space<vmem>> -> memref<1x100xi32, #tpu.memory_space<vmem>>
        %dma_start3A_1324 = tpu.memref_squeeze %dma_start3A_1323 : memref<1x100xi32, #tpu.memory_space<vmem>> -> memref<100xi32, #tpu.memory_space<vmem>>
        %dma_start3A_1325 = arith.constant 0 : i32
        %dma_start3A_1326 = arith.constant 0 : i32
        %dma_start3A_1327 = tpu.memref_slice %arg3[%dma_start3A_1325, %dma_start3A_1326] : memref<100000x128xf32, #tpu.memory_space<hbm>> -> memref<100000x128xf32, #tpu.memory_space<hbm>>
        %dma_start3A_1328 = tpu.memref_slice %arg7[%dma_start3A_1317] : memref<8x!tpu.dma_semaphore, #tpu.memory_space<semaphore_mem>> -> memref<1x!tpu.dma_semaphore, #tpu.memory_space<semaphore_mem>>
        %dma_start3A_1329 = tpu.memref_squeeze %dma_start3A_1328 : memref<1x!tpu.dma_semaphore, #tpu.memory_space<semaphore_mem>> -> memref<!tpu.dma_semaphore, #tpu.memory_space<semaphore_mem>>
        tpu.enqueue_indirect_dma source(%dma_start3A_1327 : memref<100000x128xf32, #tpu.memory_space<hbm>>) target(%dma_start3A_1321 : memref<100x128xf32, #tpu.memory_space<vmem>>) offsets(%dma_start3A_1324 : memref<100xi32, #tpu.memory_space<vmem>>) semaphore(%dma_start3A_1329 : memref<!tpu.dma_semaphore, #tpu.memory_space<semaphore_mem>>)
      } else {
      }
      %mul3A_716 = arith.constant 8 : i32
      %mul3A_717 = arith.muli %scan3A_216, %mul3A_716 : i32
      %add3A_718 = arith.constant 4 : i32
      %add3A_719 = arith.addi %mul3A_717, %add3A_718 : i32
      %dma_wait3A_720 = arith.constant 4 : i32
      %dma_wait3A_721 = arith.constant 4 : i32
      %dma_wait3A_722 = arith.constant 0 : i32
      %dma_wait3A_723 = arith.constant 0 : i32
      %dma_wait3A_724 = tpu.memref_slice %arg6[%dma_wait3A_720, %dma_wait3A_722, %dma_wait3A_723] : memref<8x100x128xf32, #tpu.memory_space<vmem>> -> memref<1x100x128xf32, #tpu.memory_space<vmem>>
      %dma_wait3A_725 = tpu.memref_squeeze %dma_wait3A_724 : memref<1x100x128xf32, #tpu.memory_space<vmem>> -> memref<100x128xf32, #tpu.memory_space<vmem>>
      %dma_wait3A_726 = arith.constant 0 : i32
      %dma_wait3A_727 = tpu.memref_slice %arg5[%add3A_719, %dma_wait3A_726] : memref<64x100xi32, #tpu.memory_space<vmem>> -> memref<1x100xi32, #tpu.memory_space<vmem>>
      %dma_wait3A_728 = tpu.memref_squeeze %dma_wait3A_727 : memref<1x100xi32, #tpu.memory_space<vmem>> -> memref<100xi32, #tpu.memory_space<vmem>>
      %dma_wait3A_729 = arith.constant 0 : i32
      %dma_wait3A_730 = arith.constant 0 : i32
      %dma_wait3A_731 = tpu.memref_slice %arg3[%dma_wait3A_729, %dma_wait3A_730] : memref<100000x128xf32, #tpu.memory_space<hbm>> -> memref<100000x128xf32, #tpu.memory_space<hbm>>
      %dma_wait3A_732 = tpu.memref_slice %arg7[%dma_wait3A_721] : memref<8x!tpu.dma_semaphore, #tpu.memory_space<semaphore_mem>> -> memref<1x!tpu.dma_semaphore, #tpu.memory_space<semaphore_mem>>
      %dma_wait3A_733 = tpu.memref_squeeze %dma_wait3A_732 : memref<1x!tpu.dma_semaphore, #tpu.memory_space<semaphore_mem>> -> memref<!tpu.dma_semaphore, #tpu.memory_space<semaphore_mem>>
      tpu.wait_indirect_dma semaphore(%dma_wait3A_733 : memref<!tpu.dma_semaphore, #tpu.memory_space<semaphore_mem>>) src(%dma_wait3A_731 : memref<100000x128xf32, #tpu.memory_space<hbm>>) dst(%dma_wait3A_725 : memref<100x128xf32, #tpu.memory_space<vmem>>)
      %mul3A_734 = arith.constant 2 : i32
      %mul3A_735 = arith.muli %add3A_719, %mul3A_734 : i32
      %add3A_736 = arith.addi %mul3A_2, %mul3A_735 : i32
      %add3A_737 = arith.constant 0 : i32
      %add3A_738 = arith.addi %add3A_736, %add3A_737 : i32
      %dma_start3A_739 = arith.constant 4 : i32
      %dma_start3A_740 = arith.constant 4 : i32
      %dma_start3A_741 = arith.constant 0 : i32
      %dma_start3A_742 = arith.constant 0 : i32
      %dma_start3A_743 = tpu.memref_slice %arg6[%dma_start3A_739, %dma_start3A_741, %dma_start3A_742] : memref<8x100x128xf32, #tpu.memory_space<vmem>> -> memref<1x100x128xf32, #tpu.memory_space<vmem>>
      %dma_start3A_744 = tpu.memref_squeeze %dma_start3A_743 : memref<1x100x128xf32, #tpu.memory_space<vmem>> -> memref<100x128xf32, #tpu.memory_space<vmem>>
      %dma_start3A_745 = arith.constant 0 : i32
      %dma_start3A_746 = arith.constant 0 : i32
      %dma_start3A_747 = tpu.memref_slice %dma_start3A_744[%dma_start3A_745, %dma_start3A_746] : memref<100x128xf32, #tpu.memory_space<vmem>> -> memref<50x128xf32, #tpu.memory_space<vmem>>
      %dma_start3A_748 = arith.constant 0 : i32
      %dma_start3A_749 = arith.constant 0 : i32
      %dma_start3A_750 = tpu.memref_slice %arg4[%add3A_738, %dma_start3A_748, %dma_start3A_749] : memref<4096x50x128xf32, #tpu.memory_space<hbm>> -> memref<1x50x128xf32, #tpu.memory_space<hbm>>
      %dma_start3A_751 = tpu.memref_squeeze %dma_start3A_750 : memref<1x50x128xf32, #tpu.memory_space<hbm>> -> memref<50x128xf32, #tpu.memory_space<hbm>>
      %dma_start3A_752 = tpu.memref_slice %arg8[%dma_start3A_740] : memref<8x!tpu.dma_semaphore, #tpu.memory_space<semaphore_mem>> -> memref<1x!tpu.dma_semaphore, #tpu.memory_space<semaphore_mem>>
      %dma_start3A_753 = tpu.memref_squeeze %dma_start3A_752 : memref<1x!tpu.dma_semaphore, #tpu.memory_space<semaphore_mem>> -> memref<!tpu.dma_semaphore, #tpu.memory_space<semaphore_mem>>
      %dma_start3A_754 = arith.constant 0 : i32
      %dma_start3A_755 = arith.constant 0 : i32
      %dma_start3A_756 = tpu.memref_slice %arg4[%add3A_738, %dma_start3A_754, %dma_start3A_755] : memref<4096x50x128xf32, #tpu.memory_space<hbm>> -> memref<1x50x128xf32, #tpu.memory_space<hbm>>
      %dma_start3A_757 = tpu.memref_squeeze %dma_start3A_756 : memref<1x50x128xf32, #tpu.memory_space<hbm>> -> memref<50x128xf32, #tpu.memory_space<hbm>>
      %dma_start3A_758 = arith.constant 0 : i32
      %dma_start3A_759 = arith.constant 0 : i32
      %dma_start3A_760 = tpu.memref_slice %arg6[%dma_start3A_739, %dma_start3A_758, %dma_start3A_759] : memref<8x100x128xf32, #tpu.memory_space<vmem>> -> memref<1x100x128xf32, #tpu.memory_space<vmem>>
      %dma_start3A_761 = tpu.memref_squeeze %dma_start3A_760 : memref<1x100x128xf32, #tpu.memory_space<vmem>> -> memref<100x128xf32, #tpu.memory_space<vmem>>
      %dma_start3A_762 = arith.constant 0 : i32
      %dma_start3A_763 = arith.constant 0 : i32
      %dma_start3A_764 = tpu.memref_slice %dma_start3A_761[%dma_start3A_762, %dma_start3A_763] : memref<100x128xf32, #tpu.memory_space<vmem>> -> memref<50x128xf32, #tpu.memory_space<vmem>>
      tpu.enqueue_dma source(%dma_start3A_764 : memref<50x128xf32, #tpu.memory_space<vmem>>) target(%dma_start3A_757 : memref<50x128xf32, #tpu.memory_space<hbm>>) target_semaphore(%dma_start3A_753 : memref<!tpu.dma_semaphore, #tpu.memory_space<semaphore_mem>>)
      %mul3A_765 = arith.constant 2 : i32
      %mul3A_766 = arith.muli %add3A_719, %mul3A_765 : i32
      %add3A_767 = arith.addi %mul3A_2, %mul3A_766 : i32
      %add3A_768 = arith.constant 1 : i32
      %add3A_769 = arith.addi %add3A_767, %add3A_768 : i32
      %dma_start3A_770 = arith.constant 4 : i32
      %dma_start3A_771 = arith.constant 4 : i32
      %dma_start3A_772 = arith.constant 0 : i32
      %dma_start3A_773 = arith.constant 0 : i32
      %dma_start3A_774 = tpu.memref_slice %arg6[%dma_start3A_770, %dma_start3A_772, %dma_start3A_773] : memref<8x100x128xf32, #tpu.memory_space<vmem>> -> memref<1x100x128xf32, #tpu.memory_space<vmem>>
      %dma_start3A_775 = tpu.memref_squeeze %dma_start3A_774 : memref<1x100x128xf32, #tpu.memory_space<vmem>> -> memref<100x128xf32, #tpu.memory_space<vmem>>
      %dma_start3A_776 = arith.constant 50 : i32
      %dma_start3A_777 = arith.constant 0 : i32
      %dma_start3A_778 = tpu.memref_slice %dma_start3A_775[%dma_start3A_776, %dma_start3A_777] : memref<100x128xf32, #tpu.memory_space<vmem>> -> memref<50x128xf32, #tpu.memory_space<vmem>>
      %dma_start3A_779 = arith.constant 0 : i32
      %dma_start3A_780 = arith.constant 0 : i32
      %dma_start3A_781 = tpu.memref_slice %arg4[%add3A_769, %dma_start3A_779, %dma_start3A_780] : memref<4096x50x128xf32, #tpu.memory_space<hbm>> -> memref<1x50x128xf32, #tpu.memory_space<hbm>>
      %dma_start3A_782 = tpu.memref_squeeze %dma_start3A_781 : memref<1x50x128xf32, #tpu.memory_space<hbm>> -> memref<50x128xf32, #tpu.memory_space<hbm>>
      %dma_start3A_783 = tpu.memref_slice %arg8[%dma_start3A_771] : memref<8x!tpu.dma_semaphore, #tpu.memory_space<semaphore_mem>> -> memref<1x!tpu.dma_semaphore, #tpu.memory_space<semaphore_mem>>
      %dma_start3A_784 = tpu.memref_squeeze %dma_start3A_783 : memref<1x!tpu.dma_semaphore, #tpu.memory_space<semaphore_mem>> -> memref<!tpu.dma_semaphore, #tpu.memory_space<semaphore_mem>>
      %dma_start3A_785 = arith.constant 0 : i32
      %dma_start3A_786 = arith.constant 0 : i32
      %dma_start3A_787 = tpu.memref_slice %arg4[%add3A_769, %dma_start3A_785, %dma_start3A_786] : memref<4096x50x128xf32, #tpu.memory_space<hbm>> -> memref<1x50x128xf32, #tpu.memory_space<hbm>>
      %dma_start3A_788 = tpu.memref_squeeze %dma_start3A_787 : memref<1x50x128xf32, #tpu.memory_space<hbm>> -> memref<50x128xf32, #tpu.memory_space<hbm>>
      %dma_start3A_789 = arith.constant 0 : i32
      %dma_start3A_790 = arith.constant 0 : i32
      %dma_start3A_791 = tpu.memref_slice %arg6[%dma_start3A_770, %dma_start3A_789, %dma_start3A_790] : memref<8x100x128xf32, #tpu.memory_space<vmem>> -> memref<1x100x128xf32, #tpu.memory_space<vmem>>
      %dma_start3A_792 = tpu.memref_squeeze %dma_start3A_791 : memref<1x100x128xf32, #tpu.memory_space<vmem>> -> memref<100x128xf32, #tpu.memory_space<vmem>>
      %dma_start3A_793 = arith.constant 50 : i32
      %dma_start3A_794 = arith.constant 0 : i32
      %dma_start3A_795 = tpu.memref_slice %dma_start3A_792[%dma_start3A_793, %dma_start3A_794] : memref<100x128xf32, #tpu.memory_space<vmem>> -> memref<50x128xf32, #tpu.memory_space<vmem>>
      tpu.enqueue_dma source(%dma_start3A_795 : memref<50x128xf32, #tpu.memory_space<vmem>>) target(%dma_start3A_788 : memref<50x128xf32, #tpu.memory_space<hbm>>) target_semaphore(%dma_start3A_784 : memref<!tpu.dma_semaphore, #tpu.memory_space<semaphore_mem>>)
      %sub3A_796 = arith.constant 2 : i32
      %sub3A_797 = arith.subi %add3A_719, %sub3A_796 : i32
      %mul3A_798 = arith.constant 2 : i32
      %mul3A_799 = arith.muli %sub3A_797, %mul3A_798 : i32
      %add3A_800 = arith.addi %mul3A_2, %mul3A_799 : i32
      %add3A_801 = arith.constant 0 : i32
      %add3A_802 = arith.addi %add3A_800, %add3A_801 : i32
      %dma_wait3A_803 = arith.constant 2 : i32
      %dma_wait3A_804 = arith.constant 2 : i32
      %dma_wait3A_805 = arith.constant 0 : i32
      %dma_wait3A_806 = arith.constant 0 : i32
      %dma_wait3A_807 = tpu.memref_slice %arg6[%dma_wait3A_803, %dma_wait3A_805, %dma_wait3A_806] : memref<8x100x128xf32, #tpu.memory_space<vmem>> -> memref<1x100x128xf32, #tpu.memory_space<vmem>>
      %dma_wait3A_808 = tpu.memref_squeeze %dma_wait3A_807 : memref<1x100x128xf32, #tpu.memory_space<vmem>> -> memref<100x128xf32, #tpu.memory_space<vmem>>
      %dma_wait3A_809 = arith.constant 0 : i32
      %dma_wait3A_810 = arith.constant 0 : i32
      %dma_wait3A_811 = tpu.memref_slice %dma_wait3A_808[%dma_wait3A_809, %dma_wait3A_810] : memref<100x128xf32, #tpu.memory_space<vmem>> -> memref<50x128xf32, #tpu.memory_space<vmem>>
      %dma_wait3A_812 = arith.constant 0 : i32
      %dma_wait3A_813 = arith.constant 0 : i32
      %dma_wait3A_814 = tpu.memref_slice %arg4[%add3A_802, %dma_wait3A_812, %dma_wait3A_813] : memref<4096x50x128xf32, #tpu.memory_space<hbm>> -> memref<1x50x128xf32, #tpu.memory_space<hbm>>
      %dma_wait3A_815 = tpu.memref_squeeze %dma_wait3A_814 : memref<1x50x128xf32, #tpu.memory_space<hbm>> -> memref<50x128xf32, #tpu.memory_space<hbm>>
      %dma_wait3A_816 = tpu.memref_slice %arg8[%dma_wait3A_804] : memref<8x!tpu.dma_semaphore, #tpu.memory_space<semaphore_mem>> -> memref<1x!tpu.dma_semaphore, #tpu.memory_space<semaphore_mem>>
      %dma_wait3A_817 = tpu.memref_squeeze %dma_wait3A_816 : memref<1x!tpu.dma_semaphore, #tpu.memory_space<semaphore_mem>> -> memref<!tpu.dma_semaphore, #tpu.memory_space<semaphore_mem>>
      %dma_wait3A_818 = arith.constant 0 : i32
      %dma_wait3A_819 = arith.constant 0 : i32
      %dma_wait3A_820 = tpu.memref_slice %arg4[%add3A_802, %dma_wait3A_818, %dma_wait3A_819] : memref<4096x50x128xf32, #tpu.memory_space<hbm>> -> memref<1x50x128xf32, #tpu.memory_space<hbm>>
      %dma_wait3A_821 = tpu.memref_squeeze %dma_wait3A_820 : memref<1x50x128xf32, #tpu.memory_space<hbm>> -> memref<50x128xf32, #tpu.memory_space<hbm>>
      %dma_wait3A_822 = arith.constant 0 : i32
      %dma_wait3A_823 = arith.constant 0 : i32
      %dma_wait3A_824 = tpu.memref_slice %arg6[%dma_wait3A_803, %dma_wait3A_822, %dma_wait3A_823] : memref<8x100x128xf32, #tpu.memory_space<vmem>> -> memref<1x100x128xf32, #tpu.memory_space<vmem>>
      %dma_wait3A_825 = tpu.memref_squeeze %dma_wait3A_824 : memref<1x100x128xf32, #tpu.memory_space<vmem>> -> memref<100x128xf32, #tpu.memory_space<vmem>>
      %dma_wait3A_826 = arith.constant 0 : i32
      %dma_wait3A_827 = arith.constant 0 : i32
      %dma_wait3A_828 = tpu.memref_slice %dma_wait3A_825[%dma_wait3A_826, %dma_wait3A_827] : memref<100x128xf32, #tpu.memory_space<vmem>> -> memref<50x128xf32, #tpu.memory_space<vmem>>
      tpu.wait_dma2 semaphore(%dma_wait3A_817 : memref<!tpu.dma_semaphore, #tpu.memory_space<semaphore_mem>>) src(%dma_wait3A_828 : memref<50x128xf32, #tpu.memory_space<vmem>>) dst(%dma_wait3A_821 : memref<50x128xf32, #tpu.memory_space<hbm>>)
      %mul3A_829 = arith.constant 2 : i32
      %mul3A_830 = arith.muli %sub3A_797, %mul3A_829 : i32
      %add3A_831 = arith.addi %mul3A_2, %mul3A_830 : i32
      %add3A_832 = arith.constant 1 : i32
      %add3A_833 = arith.addi %add3A_831, %add3A_832 : i32
      %dma_wait3A_834 = arith.constant 2 : i32
      %dma_wait3A_835 = arith.constant 2 : i32
      %dma_wait3A_836 = arith.constant 0 : i32
      %dma_wait3A_837 = arith.constant 0 : i32
      %dma_wait3A_838 = tpu.memref_slice %arg6[%dma_wait3A_834, %dma_wait3A_836, %dma_wait3A_837] : memref<8x100x128xf32, #tpu.memory_space<vmem>> -> memref<1x100x128xf32, #tpu.memory_space<vmem>>
      %dma_wait3A_839 = tpu.memref_squeeze %dma_wait3A_838 : memref<1x100x128xf32, #tpu.memory_space<vmem>> -> memref<100x128xf32, #tpu.memory_space<vmem>>
      %dma_wait3A_840 = arith.constant 50 : i32
      %dma_wait3A_841 = arith.constant 0 : i32
      %dma_wait3A_842 = tpu.memref_slice %dma_wait3A_839[%dma_wait3A_840, %dma_wait3A_841] : memref<100x128xf32, #tpu.memory_space<vmem>> -> memref<50x128xf32, #tpu.memory_space<vmem>>
      %dma_wait3A_843 = arith.constant 0 : i32
      %dma_wait3A_844 = arith.constant 0 : i32
      %dma_wait3A_845 = tpu.memref_slice %arg4[%add3A_833, %dma_wait3A_843, %dma_wait3A_844] : memref<4096x50x128xf32, #tpu.memory_space<hbm>> -> memref<1x50x128xf32, #tpu.memory_space<hbm>>
      %dma_wait3A_846 = tpu.memref_squeeze %dma_wait3A_845 : memref<1x50x128xf32, #tpu.memory_space<hbm>> -> memref<50x128xf32, #tpu.memory_space<hbm>>
      %dma_wait3A_847 = tpu.memref_slice %arg8[%dma_wait3A_835] : memref<8x!tpu.dma_semaphore, #tpu.memory_space<semaphore_mem>> -> memref<1x!tpu.dma_semaphore, #tpu.memory_space<semaphore_mem>>
      %dma_wait3A_848 = tpu.memref_squeeze %dma_wait3A_847 : memref<1x!tpu.dma_semaphore, #tpu.memory_space<semaphore_mem>> -> memref<!tpu.dma_semaphore, #tpu.memory_space<semaphore_mem>>
      %dma_wait3A_849 = arith.constant 0 : i32
      %dma_wait3A_850 = arith.constant 0 : i32
      %dma_wait3A_851 = tpu.memref_slice %arg4[%add3A_833, %dma_wait3A_849, %dma_wait3A_850] : memref<4096x50x128xf32, #tpu.memory_space<hbm>> -> memref<1x50x128xf32, #tpu.memory_space<hbm>>
      %dma_wait3A_852 = tpu.memref_squeeze %dma_wait3A_851 : memref<1x50x128xf32, #tpu.memory_space<hbm>> -> memref<50x128xf32, #tpu.memory_space<hbm>>
      %dma_wait3A_853 = arith.constant 0 : i32
      %dma_wait3A_854 = arith.constant 0 : i32
      %dma_wait3A_855 = tpu.memref_slice %arg6[%dma_wait3A_834, %dma_wait3A_853, %dma_wait3A_854] : memref<8x100x128xf32, #tpu.memory_space<vmem>> -> memref<1x100x128xf32, #tpu.memory_space<vmem>>
      %dma_wait3A_856 = tpu.memref_squeeze %dma_wait3A_855 : memref<1x100x128xf32, #tpu.memory_space<vmem>> -> memref<100x128xf32, #tpu.memory_space<vmem>>
      %dma_wait3A_857 = arith.constant 50 : i32
      %dma_wait3A_858 = arith.constant 0 : i32
      %dma_wait3A_859 = tpu.memref_slice %dma_wait3A_856[%dma_wait3A_857, %dma_wait3A_858] : memref<100x128xf32, #tpu.memory_space<vmem>> -> memref<50x128xf32, #tpu.memory_space<vmem>>
      tpu.wait_dma2 semaphore(%dma_wait3A_848 : memref<!tpu.dma_semaphore, #tpu.memory_space<semaphore_mem>>) src(%dma_wait3A_859 : memref<50x128xf32, #tpu.memory_space<vmem>>) dst(%dma_wait3A_852 : memref<50x128xf32, #tpu.memory_space<hbm>>)
      %lt3A_860 = arith.constant 7 : i32
      %lt3A_861 = arith.cmpi slt, %scan3A_216, %lt3A_860 : i32
      %convert_element_type3A_862 = arith.extui %lt3A_861 : i1 to i32
      %cond3A_863 = arith.constant 0 : i32
      %cond3A_864 = arith.cmpi ne, %convert_element_type3A_862, %cond3A_863 : i32
      scf.if %cond3A_864 {
        %add3A_1312 = arith.constant 8 : i32
        %add3A_1313 = arith.addi %add3A_719, %add3A_1312 : i32
        %sub3A_1314 = arith.constant 2 : i32
        %sub3A_1315 = arith.subi %add3A_1313, %sub3A_1314 : i32
        %dma_start3A_1316 = arith.constant 2 : i32
        %dma_start3A_1317 = arith.constant 2 : i32
        %dma_start3A_1318 = arith.constant 0 : i32
        %dma_start3A_1319 = arith.constant 0 : i32
        %dma_start3A_1320 = tpu.memref_slice %arg6[%dma_start3A_1316, %dma_start3A_1318, %dma_start3A_1319] : memref<8x100x128xf32, #tpu.memory_space<vmem>> -> memref<1x100x128xf32, #tpu.memory_space<vmem>>
        %dma_start3A_1321 = tpu.memref_squeeze %dma_start3A_1320 : memref<1x100x128xf32, #tpu.memory_space<vmem>> -> memref<100x128xf32, #tpu.memory_space<vmem>>
        %dma_start3A_1322 = arith.constant 0 : i32
        %dma_start3A_1323 = tpu.memref_slice %arg5[%sub3A_1315, %dma_start3A_1322] : memref<64x100xi32, #tpu.memory_space<vmem>> -> memref<1x100xi32, #tpu.memory_space<vmem>>
        %dma_start3A_1324 = tpu.memref_squeeze %dma_start3A_1323 : memref<1x100xi32, #tpu.memory_space<vmem>> -> memref<100xi32, #tpu.memory_space<vmem>>
        %dma_start3A_1325 = arith.constant 0 : i32
        %dma_start3A_1326 = arith.constant 0 : i32
        %dma_start3A_1327 = tpu.memref_slice %arg3[%dma_start3A_1325, %dma_start3A_1326] : memref<100000x128xf32, #tpu.memory_space<hbm>> -> memref<100000x128xf32, #tpu.memory_space<hbm>>
        %dma_start3A_1328 = tpu.memref_slice %arg7[%dma_start3A_1317] : memref<8x!tpu.dma_semaphore, #tpu.memory_space<semaphore_mem>> -> memref<1x!tpu.dma_semaphore, #tpu.memory_space<semaphore_mem>>
        %dma_start3A_1329 = tpu.memref_squeeze %dma_start3A_1328 : memref<1x!tpu.dma_semaphore, #tpu.memory_space<semaphore_mem>> -> memref<!tpu.dma_semaphore, #tpu.memory_space<semaphore_mem>>
        tpu.enqueue_indirect_dma source(%dma_start3A_1327 : memref<100000x128xf32, #tpu.memory_space<hbm>>) target(%dma_start3A_1321 : memref<100x128xf32, #tpu.memory_space<vmem>>) offsets(%dma_start3A_1324 : memref<100xi32, #tpu.memory_space<vmem>>) semaphore(%dma_start3A_1329 : memref<!tpu.dma_semaphore, #tpu.memory_space<semaphore_mem>>)
      } else {
      }
      %mul3A_865 = arith.constant 8 : i32
      %mul3A_866 = arith.muli %scan3A_216, %mul3A_865 : i32
      %add3A_867 = arith.constant 5 : i32
      %add3A_868 = arith.addi %mul3A_866, %add3A_867 : i32
      %dma_wait3A_869 = arith.constant 5 : i32
      %dma_wait3A_870 = arith.constant 5 : i32
      %dma_wait3A_871 = arith.constant 0 : i32
      %dma_wait3A_872 = arith.constant 0 : i32
      %dma_wait3A_873 = tpu.memref_slice %arg6[%dma_wait3A_869, %dma_wait3A_871, %dma_wait3A_872] : memref<8x100x128xf32, #tpu.memory_space<vmem>> -> memref<1x100x128xf32, #tpu.memory_space<vmem>>
      %dma_wait3A_874 = tpu.memref_squeeze %dma_wait3A_873 : memref<1x100x128xf32, #tpu.memory_space<vmem>> -> memref<100x128xf32, #tpu.memory_space<vmem>>
      %dma_wait3A_875 = arith.constant 0 : i32
      %dma_wait3A_876 = tpu.memref_slice %arg5[%add3A_868, %dma_wait3A_875] : memref<64x100xi32, #tpu.memory_space<vmem>> -> memref<1x100xi32, #tpu.memory_space<vmem>>
      %dma_wait3A_877 = tpu.memref_squeeze %dma_wait3A_876 : memref<1x100xi32, #tpu.memory_space<vmem>> -> memref<100xi32, #tpu.memory_space<vmem>>
      %dma_wait3A_878 = arith.constant 0 : i32
      %dma_wait3A_879 = arith.constant 0 : i32
      %dma_wait3A_880 = tpu.memref_slice %arg3[%dma_wait3A_878, %dma_wait3A_879] : memref<100000x128xf32, #tpu.memory_space<hbm>> -> memref<100000x128xf32, #tpu.memory_space<hbm>>
      %dma_wait3A_881 = tpu.memref_slice %arg7[%dma_wait3A_870] : memref<8x!tpu.dma_semaphore, #tpu.memory_space<semaphore_mem>> -> memref<1x!tpu.dma_semaphore, #tpu.memory_space<semaphore_mem>>
      %dma_wait3A_882 = tpu.memref_squeeze %dma_wait3A_881 : memref<1x!tpu.dma_semaphore, #tpu.memory_space<semaphore_mem>> -> memref<!tpu.dma_semaphore, #tpu.memory_space<semaphore_mem>>
      tpu.wait_indirect_dma semaphore(%dma_wait3A_882 : memref<!tpu.dma_semaphore, #tpu.memory_space<semaphore_mem>>) src(%dma_wait3A_880 : memref<100000x128xf32, #tpu.memory_space<hbm>>) dst(%dma_wait3A_874 : memref<100x128xf32, #tpu.memory_space<vmem>>)
      %mul3A_883 = arith.constant 2 : i32
      %mul3A_884 = arith.muli %add3A_868, %mul3A_883 : i32
      %add3A_885 = arith.addi %mul3A_2, %mul3A_884 : i32
      %add3A_886 = arith.constant 0 : i32
      %add3A_887 = arith.addi %add3A_885, %add3A_886 : i32
      %dma_start3A_888 = arith.constant 5 : i32
      %dma_start3A_889 = arith.constant 5 : i32
      %dma_start3A_890 = arith.constant 0 : i32
      %dma_start3A_891 = arith.constant 0 : i32
      %dma_start3A_892 = tpu.memref_slice %arg6[%dma_start3A_888, %dma_start3A_890, %dma_start3A_891] : memref<8x100x128xf32, #tpu.memory_space<vmem>> -> memref<1x100x128xf32, #tpu.memory_space<vmem>>
      %dma_start3A_893 = tpu.memref_squeeze %dma_start3A_892 : memref<1x100x128xf32, #tpu.memory_space<vmem>> -> memref<100x128xf32, #tpu.memory_space<vmem>>
      %dma_start3A_894 = arith.constant 0 : i32
      %dma_start3A_895 = arith.constant 0 : i32
      %dma_start3A_896 = tpu.memref_slice %dma_start3A_893[%dma_start3A_894, %dma_start3A_895] : memref<100x128xf32, #tpu.memory_space<vmem>> -> memref<50x128xf32, #tpu.memory_space<vmem>>
      %dma_start3A_897 = arith.constant 0 : i32
      %dma_start3A_898 = arith.constant 0 : i32
      %dma_start3A_899 = tpu.memref_slice %arg4[%add3A_887, %dma_start3A_897, %dma_start3A_898] : memref<4096x50x128xf32, #tpu.memory_space<hbm>> -> memref<1x50x128xf32, #tpu.memory_space<hbm>>
      %dma_start3A_900 = tpu.memref_squeeze %dma_start3A_899 : memref<1x50x128xf32, #tpu.memory_space<hbm>> -> memref<50x128xf32, #tpu.memory_space<hbm>>
      %dma_start3A_901 = tpu.memref_slice %arg8[%dma_start3A_889] : memref<8x!tpu.dma_semaphore, #tpu.memory_space<semaphore_mem>> -> memref<1x!tpu.dma_semaphore, #tpu.memory_space<semaphore_mem>>
      %dma_start3A_902 = tpu.memref_squeeze %dma_start3A_901 : memref<1x!tpu.dma_semaphore, #tpu.memory_space<semaphore_mem>> -> memref<!tpu.dma_semaphore, #tpu.memory_space<semaphore_mem>>
      %dma_start3A_903 = arith.constant 0 : i32
      %dma_start3A_904 = arith.constant 0 : i32
      %dma_start3A_905 = tpu.memref_slice %arg4[%add3A_887, %dma_start3A_903, %dma_start3A_904] : memref<4096x50x128xf32, #tpu.memory_space<hbm>> -> memref<1x50x128xf32, #tpu.memory_space<hbm>>
      %dma_start3A_906 = tpu.memref_squeeze %dma_start3A_905 : memref<1x50x128xf32, #tpu.memory_space<hbm>> -> memref<50x128xf32, #tpu.memory_space<hbm>>
      %dma_start3A_907 = arith.constant 0 : i32
      %dma_start3A_908 = arith.constant 0 : i32
      %dma_start3A_909 = tpu.memref_slice %arg6[%dma_start3A_888, %dma_start3A_907, %dma_start3A_908] : memref<8x100x128xf32, #tpu.memory_space<vmem>> -> memref<1x100x128xf32, #tpu.memory_space<vmem>>
      %dma_start3A_910 = tpu.memref_squeeze %dma_start3A_909 : memref<1x100x128xf32, #tpu.memory_space<vmem>> -> memref<100x128xf32, #tpu.memory_space<vmem>>
      %dma_start3A_911 = arith.constant 0 : i32
      %dma_start3A_912 = arith.constant 0 : i32
      %dma_start3A_913 = tpu.memref_slice %dma_start3A_910[%dma_start3A_911, %dma_start3A_912] : memref<100x128xf32, #tpu.memory_space<vmem>> -> memref<50x128xf32, #tpu.memory_space<vmem>>
      tpu.enqueue_dma source(%dma_start3A_913 : memref<50x128xf32, #tpu.memory_space<vmem>>) target(%dma_start3A_906 : memref<50x128xf32, #tpu.memory_space<hbm>>) target_semaphore(%dma_start3A_902 : memref<!tpu.dma_semaphore, #tpu.memory_space<semaphore_mem>>)
      %mul3A_914 = arith.constant 2 : i32
      %mul3A_915 = arith.muli %add3A_868, %mul3A_914 : i32
      %add3A_916 = arith.addi %mul3A_2, %mul3A_915 : i32
      %add3A_917 = arith.constant 1 : i32
      %add3A_918 = arith.addi %add3A_916, %add3A_917 : i32
      %dma_start3A_919 = arith.constant 5 : i32
      %dma_start3A_920 = arith.constant 5 : i32
      %dma_start3A_921 = arith.constant 0 : i32
      %dma_start3A_922 = arith.constant 0 : i32
      %dma_start3A_923 = tpu.memref_slice %arg6[%dma_start3A_919, %dma_start3A_921, %dma_start3A_922] : memref<8x100x128xf32, #tpu.memory_space<vmem>> -> memref<1x100x128xf32, #tpu.memory_space<vmem>>
      %dma_start3A_924 = tpu.memref_squeeze %dma_start3A_923 : memref<1x100x128xf32, #tpu.memory_space<vmem>> -> memref<100x128xf32, #tpu.memory_space<vmem>>
      %dma_start3A_925 = arith.constant 50 : i32
      %dma_start3A_926 = arith.constant 0 : i32
      %dma_start3A_927 = tpu.memref_slice %dma_start3A_924[%dma_start3A_925, %dma_start3A_926] : memref<100x128xf32, #tpu.memory_space<vmem>> -> memref<50x128xf32, #tpu.memory_space<vmem>>
      %dma_start3A_928 = arith.constant 0 : i32
      %dma_start3A_929 = arith.constant 0 : i32
      %dma_start3A_930 = tpu.memref_slice %arg4[%add3A_918, %dma_start3A_928, %dma_start3A_929] : memref<4096x50x128xf32, #tpu.memory_space<hbm>> -> memref<1x50x128xf32, #tpu.memory_space<hbm>>
      %dma_start3A_931 = tpu.memref_squeeze %dma_start3A_930 : memref<1x50x128xf32, #tpu.memory_space<hbm>> -> memref<50x128xf32, #tpu.memory_space<hbm>>
      %dma_start3A_932 = tpu.memref_slice %arg8[%dma_start3A_920] : memref<8x!tpu.dma_semaphore, #tpu.memory_space<semaphore_mem>> -> memref<1x!tpu.dma_semaphore, #tpu.memory_space<semaphore_mem>>
      %dma_start3A_933 = tpu.memref_squeeze %dma_start3A_932 : memref<1x!tpu.dma_semaphore, #tpu.memory_space<semaphore_mem>> -> memref<!tpu.dma_semaphore, #tpu.memory_space<semaphore_mem>>
      %dma_start3A_934 = arith.constant 0 : i32
      %dma_start3A_935 = arith.constant 0 : i32
      %dma_start3A_936 = tpu.memref_slice %arg4[%add3A_918, %dma_start3A_934, %dma_start3A_935] : memref<4096x50x128xf32, #tpu.memory_space<hbm>> -> memref<1x50x128xf32, #tpu.memory_space<hbm>>
      %dma_start3A_937 = tpu.memref_squeeze %dma_start3A_936 : memref<1x50x128xf32, #tpu.memory_space<hbm>> -> memref<50x128xf32, #tpu.memory_space<hbm>>
      %dma_start3A_938 = arith.constant 0 : i32
      %dma_start3A_939 = arith.constant 0 : i32
      %dma_start3A_940 = tpu.memref_slice %arg6[%dma_start3A_919, %dma_start3A_938, %dma_start3A_939] : memref<8x100x128xf32, #tpu.memory_space<vmem>> -> memref<1x100x128xf32, #tpu.memory_space<vmem>>
      %dma_start3A_941 = tpu.memref_squeeze %dma_start3A_940 : memref<1x100x128xf32, #tpu.memory_space<vmem>> -> memref<100x128xf32, #tpu.memory_space<vmem>>
      %dma_start3A_942 = arith.constant 50 : i32
      %dma_start3A_943 = arith.constant 0 : i32
      %dma_start3A_944 = tpu.memref_slice %dma_start3A_941[%dma_start3A_942, %dma_start3A_943] : memref<100x128xf32, #tpu.memory_space<vmem>> -> memref<50x128xf32, #tpu.memory_space<vmem>>
      tpu.enqueue_dma source(%dma_start3A_944 : memref<50x128xf32, #tpu.memory_space<vmem>>) target(%dma_start3A_937 : memref<50x128xf32, #tpu.memory_space<hbm>>) target_semaphore(%dma_start3A_933 : memref<!tpu.dma_semaphore, #tpu.memory_space<semaphore_mem>>)
      %sub3A_945 = arith.constant 2 : i32
      %sub3A_946 = arith.subi %add3A_868, %sub3A_945 : i32
      %mul3A_947 = arith.constant 2 : i32
      %mul3A_948 = arith.muli %sub3A_946, %mul3A_947 : i32
      %add3A_949 = arith.addi %mul3A_2, %mul3A_948 : i32
      %add3A_950 = arith.constant 0 : i32
      %add3A_951 = arith.addi %add3A_949, %add3A_950 : i32
      %dma_wait3A_952 = arith.constant 3 : i32
      %dma_wait3A_953 = arith.constant 3 : i32
      %dma_wait3A_954 = arith.constant 0 : i32
      %dma_wait3A_955 = arith.constant 0 : i32
      %dma_wait3A_956 = tpu.memref_slice %arg6[%dma_wait3A_952, %dma_wait3A_954, %dma_wait3A_955] : memref<8x100x128xf32, #tpu.memory_space<vmem>> -> memref<1x100x128xf32, #tpu.memory_space<vmem>>
      %dma_wait3A_957 = tpu.memref_squeeze %dma_wait3A_956 : memref<1x100x128xf32, #tpu.memory_space<vmem>> -> memref<100x128xf32, #tpu.memory_space<vmem>>
      %dma_wait3A_958 = arith.constant 0 : i32
      %dma_wait3A_959 = arith.constant 0 : i32
      %dma_wait3A_960 = tpu.memref_slice %dma_wait3A_957[%dma_wait3A_958, %dma_wait3A_959] : memref<100x128xf32, #tpu.memory_space<vmem>> -> memref<50x128xf32, #tpu.memory_space<vmem>>
      %dma_wait3A_961 = arith.constant 0 : i32
      %dma_wait3A_962 = arith.constant 0 : i32
      %dma_wait3A_963 = tpu.memref_slice %arg4[%add3A_951, %dma_wait3A_961, %dma_wait3A_962] : memref<4096x50x128xf32, #tpu.memory_space<hbm>> -> memref<1x50x128xf32, #tpu.memory_space<hbm>>
      %dma_wait3A_964 = tpu.memref_squeeze %dma_wait3A_963 : memref<1x50x128xf32, #tpu.memory_space<hbm>> -> memref<50x128xf32, #tpu.memory_space<hbm>>
      %dma_wait3A_965 = tpu.memref_slice %arg8[%dma_wait3A_953] : memref<8x!tpu.dma_semaphore, #tpu.memory_space<semaphore_mem>> -> memref<1x!tpu.dma_semaphore, #tpu.memory_space<semaphore_mem>>
      %dma_wait3A_966 = tpu.memref_squeeze %dma_wait3A_965 : memref<1x!tpu.dma_semaphore, #tpu.memory_space<semaphore_mem>> -> memref<!tpu.dma_semaphore, #tpu.memory_space<semaphore_mem>>
      %dma_wait3A_967 = arith.constant 0 : i32
      %dma_wait3A_968 = arith.constant 0 : i32
      %dma_wait3A_969 = tpu.memref_slice %arg4[%add3A_951, %dma_wait3A_967, %dma_wait3A_968] : memref<4096x50x128xf32, #tpu.memory_space<hbm>> -> memref<1x50x128xf32, #tpu.memory_space<hbm>>
      %dma_wait3A_970 = tpu.memref_squeeze %dma_wait3A_969 : memref<1x50x128xf32, #tpu.memory_space<hbm>> -> memref<50x128xf32, #tpu.memory_space<hbm>>
      %dma_wait3A_971 = arith.constant 0 : i32
      %dma_wait3A_972 = arith.constant 0 : i32
      %dma_wait3A_973 = tpu.memref_slice %arg6[%dma_wait3A_952, %dma_wait3A_971, %dma_wait3A_972] : memref<8x100x128xf32, #tpu.memory_space<vmem>> -> memref<1x100x128xf32, #tpu.memory_space<vmem>>
      %dma_wait3A_974 = tpu.memref_squeeze %dma_wait3A_973 : memref<1x100x128xf32, #tpu.memory_space<vmem>> -> memref<100x128xf32, #tpu.memory_space<vmem>>
      %dma_wait3A_975 = arith.constant 0 : i32
      %dma_wait3A_976 = arith.constant 0 : i32
      %dma_wait3A_977 = tpu.memref_slice %dma_wait3A_974[%dma_wait3A_975, %dma_wait3A_976] : memref<100x128xf32, #tpu.memory_space<vmem>> -> memref<50x128xf32, #tpu.memory_space<vmem>>
      tpu.wait_dma2 semaphore(%dma_wait3A_966 : memref<!tpu.dma_semaphore, #tpu.memory_space<semaphore_mem>>) src(%dma_wait3A_977 : memref<50x128xf32, #tpu.memory_space<vmem>>) dst(%dma_wait3A_970 : memref<50x128xf32, #tpu.memory_space<hbm>>)
      %mul3A_978 = arith.constant 2 : i32
      %mul3A_979 = arith.muli %sub3A_946, %mul3A_978 : i32
      %add3A_980 = arith.addi %mul3A_2, %mul3A_979 : i32
      %add3A_981 = arith.constant 1 : i32
      %add3A_982 = arith.addi %add3A_980, %add3A_981 : i32
      %dma_wait3A_983 = arith.constant 3 : i32
      %dma_wait3A_984 = arith.constant 3 : i32
      %dma_wait3A_985 = arith.constant 0 : i32
      %dma_wait3A_986 = arith.constant 0 : i32
      %dma_wait3A_987 = tpu.memref_slice %arg6[%dma_wait3A_983, %dma_wait3A_985, %dma_wait3A_986] : memref<8x100x128xf32, #tpu.memory_space<vmem>> -> memref<1x100x128xf32, #tpu.memory_space<vmem>>
      %dma_wait3A_988 = tpu.memref_squeeze %dma_wait3A_987 : memref<1x100x128xf32, #tpu.memory_space<vmem>> -> memref<100x128xf32, #tpu.memory_space<vmem>>
      %dma_wait3A_989 = arith.constant 50 : i32
      %dma_wait3A_990 = arith.constant 0 : i32
      %dma_wait3A_991 = tpu.memref_slice %dma_wait3A_988[%dma_wait3A_989, %dma_wait3A_990] : memref<100x128xf32, #tpu.memory_space<vmem>> -> memref<50x128xf32, #tpu.memory_space<vmem>>
      %dma_wait3A_992 = arith.constant 0 : i32
      %dma_wait3A_993 = arith.constant 0 : i32
      %dma_wait3A_994 = tpu.memref_slice %arg4[%add3A_982, %dma_wait3A_992, %dma_wait3A_993] : memref<4096x50x128xf32, #tpu.memory_space<hbm>> -> memref<1x50x128xf32, #tpu.memory_space<hbm>>
      %dma_wait3A_995 = tpu.memref_squeeze %dma_wait3A_994 : memref<1x50x128xf32, #tpu.memory_space<hbm>> -> memref<50x128xf32, #tpu.memory_space<hbm>>
      %dma_wait3A_996 = tpu.memref_slice %arg8[%dma_wait3A_984] : memref<8x!tpu.dma_semaphore, #tpu.memory_space<semaphore_mem>> -> memref<1x!tpu.dma_semaphore, #tpu.memory_space<semaphore_mem>>
      %dma_wait3A_997 = tpu.memref_squeeze %dma_wait3A_996 : memref<1x!tpu.dma_semaphore, #tpu.memory_space<semaphore_mem>> -> memref<!tpu.dma_semaphore, #tpu.memory_space<semaphore_mem>>
      %dma_wait3A_998 = arith.constant 0 : i32
      %dma_wait3A_999 = arith.constant 0 : i32
      %dma_wait3A_1000 = tpu.memref_slice %arg4[%add3A_982, %dma_wait3A_998, %dma_wait3A_999] : memref<4096x50x128xf32, #tpu.memory_space<hbm>> -> memref<1x50x128xf32, #tpu.memory_space<hbm>>
      %dma_wait3A_1001 = tpu.memref_squeeze %dma_wait3A_1000 : memref<1x50x128xf32, #tpu.memory_space<hbm>> -> memref<50x128xf32, #tpu.memory_space<hbm>>
      %dma_wait3A_1002 = arith.constant 0 : i32
      %dma_wait3A_1003 = arith.constant 0 : i32
      %dma_wait3A_1004 = tpu.memref_slice %arg6[%dma_wait3A_983, %dma_wait3A_1002, %dma_wait3A_1003] : memref<8x100x128xf32, #tpu.memory_space<vmem>> -> memref<1x100x128xf32, #tpu.memory_space<vmem>>
      %dma_wait3A_1005 = tpu.memref_squeeze %dma_wait3A_1004 : memref<1x100x128xf32, #tpu.memory_space<vmem>> -> memref<100x128xf32, #tpu.memory_space<vmem>>
      %dma_wait3A_1006 = arith.constant 50 : i32
      %dma_wait3A_1007 = arith.constant 0 : i32
      %dma_wait3A_1008 = tpu.memref_slice %dma_wait3A_1005[%dma_wait3A_1006, %dma_wait3A_1007] : memref<100x128xf32, #tpu.memory_space<vmem>> -> memref<50x128xf32, #tpu.memory_space<vmem>>
      tpu.wait_dma2 semaphore(%dma_wait3A_997 : memref<!tpu.dma_semaphore, #tpu.memory_space<semaphore_mem>>) src(%dma_wait3A_1008 : memref<50x128xf32, #tpu.memory_space<vmem>>) dst(%dma_wait3A_1001 : memref<50x128xf32, #tpu.memory_space<hbm>>)
      %lt3A_1009 = arith.constant 7 : i32
      %lt3A_1010 = arith.cmpi slt, %scan3A_216, %lt3A_1009 : i32
      %convert_element_type3A_1011 = arith.extui %lt3A_1010 : i1 to i32
      %cond3A_1012 = arith.constant 0 : i32
      %cond3A_1013 = arith.cmpi ne, %convert_element_type3A_1011, %cond3A_1012 : i32
      scf.if %cond3A_1013 {
        %add3A_1312 = arith.constant 8 : i32
        %add3A_1313 = arith.addi %add3A_868, %add3A_1312 : i32
        %sub3A_1314 = arith.constant 2 : i32
        %sub3A_1315 = arith.subi %add3A_1313, %sub3A_1314 : i32
        %dma_start3A_1316 = arith.constant 3 : i32
        %dma_start3A_1317 = arith.constant 3 : i32
        %dma_start3A_1318 = arith.constant 0 : i32
        %dma_start3A_1319 = arith.constant 0 : i32
        %dma_start3A_1320 = tpu.memref_slice %arg6[%dma_start3A_1316, %dma_start3A_1318, %dma_start3A_1319] : memref<8x100x128xf32, #tpu.memory_space<vmem>> -> memref<1x100x128xf32, #tpu.memory_space<vmem>>
        %dma_start3A_1321 = tpu.memref_squeeze %dma_start3A_1320 : memref<1x100x128xf32, #tpu.memory_space<vmem>> -> memref<100x128xf32, #tpu.memory_space<vmem>>
        %dma_start3A_1322 = arith.constant 0 : i32
        %dma_start3A_1323 = tpu.memref_slice %arg5[%sub3A_1315, %dma_start3A_1322] : memref<64x100xi32, #tpu.memory_space<vmem>> -> memref<1x100xi32, #tpu.memory_space<vmem>>
        %dma_start3A_1324 = tpu.memref_squeeze %dma_start3A_1323 : memref<1x100xi32, #tpu.memory_space<vmem>> -> memref<100xi32, #tpu.memory_space<vmem>>
        %dma_start3A_1325 = arith.constant 0 : i32
        %dma_start3A_1326 = arith.constant 0 : i32
        %dma_start3A_1327 = tpu.memref_slice %arg3[%dma_start3A_1325, %dma_start3A_1326] : memref<100000x128xf32, #tpu.memory_space<hbm>> -> memref<100000x128xf32, #tpu.memory_space<hbm>>
        %dma_start3A_1328 = tpu.memref_slice %arg7[%dma_start3A_1317] : memref<8x!tpu.dma_semaphore, #tpu.memory_space<semaphore_mem>> -> memref<1x!tpu.dma_semaphore, #tpu.memory_space<semaphore_mem>>
        %dma_start3A_1329 = tpu.memref_squeeze %dma_start3A_1328 : memref<1x!tpu.dma_semaphore, #tpu.memory_space<semaphore_mem>> -> memref<!tpu.dma_semaphore, #tpu.memory_space<semaphore_mem>>
        tpu.enqueue_indirect_dma source(%dma_start3A_1327 : memref<100000x128xf32, #tpu.memory_space<hbm>>) target(%dma_start3A_1321 : memref<100x128xf32, #tpu.memory_space<vmem>>) offsets(%dma_start3A_1324 : memref<100xi32, #tpu.memory_space<vmem>>) semaphore(%dma_start3A_1329 : memref<!tpu.dma_semaphore, #tpu.memory_space<semaphore_mem>>)
      } else {
      }
      %mul3A_1014 = arith.constant 8 : i32
      %mul3A_1015 = arith.muli %scan3A_216, %mul3A_1014 : i32
      %add3A_1016 = arith.constant 6 : i32
      %add3A_1017 = arith.addi %mul3A_1015, %add3A_1016 : i32
      %dma_wait3A_1018 = arith.constant 6 : i32
      %dma_wait3A_1019 = arith.constant 6 : i32
      %dma_wait3A_1020 = arith.constant 0 : i32
      %dma_wait3A_1021 = arith.constant 0 : i32
      %dma_wait3A_1022 = tpu.memref_slice %arg6[%dma_wait3A_1018, %dma_wait3A_1020, %dma_wait3A_1021] : memref<8x100x128xf32, #tpu.memory_space<vmem>> -> memref<1x100x128xf32, #tpu.memory_space<vmem>>
      %dma_wait3A_1023 = tpu.memref_squeeze %dma_wait3A_1022 : memref<1x100x128xf32, #tpu.memory_space<vmem>> -> memref<100x128xf32, #tpu.memory_space<vmem>>
      %dma_wait3A_1024 = arith.constant 0 : i32
      %dma_wait3A_1025 = tpu.memref_slice %arg5[%add3A_1017, %dma_wait3A_1024] : memref<64x100xi32, #tpu.memory_space<vmem>> -> memref<1x100xi32, #tpu.memory_space<vmem>>
      %dma_wait3A_1026 = tpu.memref_squeeze %dma_wait3A_1025 : memref<1x100xi32, #tpu.memory_space<vmem>> -> memref<100xi32, #tpu.memory_space<vmem>>
      %dma_wait3A_1027 = arith.constant 0 : i32
      %dma_wait3A_1028 = arith.constant 0 : i32
      %dma_wait3A_1029 = tpu.memref_slice %arg3[%dma_wait3A_1027, %dma_wait3A_1028] : memref<100000x128xf32, #tpu.memory_space<hbm>> -> memref<100000x128xf32, #tpu.memory_space<hbm>>
      %dma_wait3A_1030 = tpu.memref_slice %arg7[%dma_wait3A_1019] : memref<8x!tpu.dma_semaphore, #tpu.memory_space<semaphore_mem>> -> memref<1x!tpu.dma_semaphore, #tpu.memory_space<semaphore_mem>>
      %dma_wait3A_1031 = tpu.memref_squeeze %dma_wait3A_1030 : memref<1x!tpu.dma_semaphore, #tpu.memory_space<semaphore_mem>> -> memref<!tpu.dma_semaphore, #tpu.memory_space<semaphore_mem>>
      tpu.wait_indirect_dma semaphore(%dma_wait3A_1031 : memref<!tpu.dma_semaphore, #tpu.memory_space<semaphore_mem>>) src(%dma_wait3A_1029 : memref<100000x128xf32, #tpu.memory_space<hbm>>) dst(%dma_wait3A_1023 : memref<100x128xf32, #tpu.memory_space<vmem>>)
      %mul3A_1032 = arith.constant 2 : i32
      %mul3A_1033 = arith.muli %add3A_1017, %mul3A_1032 : i32
      %add3A_1034 = arith.addi %mul3A_2, %mul3A_1033 : i32
      %add3A_1035 = arith.constant 0 : i32
      %add3A_1036 = arith.addi %add3A_1034, %add3A_1035 : i32
      %dma_start3A_1037 = arith.constant 6 : i32
      %dma_start3A_1038 = arith.constant 6 : i32
      %dma_start3A_1039 = arith.constant 0 : i32
      %dma_start3A_1040 = arith.constant 0 : i32
      %dma_start3A_1041 = tpu.memref_slice %arg6[%dma_start3A_1037, %dma_start3A_1039, %dma_start3A_1040] : memref<8x100x128xf32, #tpu.memory_space<vmem>> -> memref<1x100x128xf32, #tpu.memory_space<vmem>>
      %dma_start3A_1042 = tpu.memref_squeeze %dma_start3A_1041 : memref<1x100x128xf32, #tpu.memory_space<vmem>> -> memref<100x128xf32, #tpu.memory_space<vmem>>
      %dma_start3A_1043 = arith.constant 0 : i32
      %dma_start3A_1044 = arith.constant 0 : i32
      %dma_start3A_1045 = tpu.memref_slice %dma_start3A_1042[%dma_start3A_1043, %dma_start3A_1044] : memref<100x128xf32, #tpu.memory_space<vmem>> -> memref<50x128xf32, #tpu.memory_space<vmem>>
      %dma_start3A_1046 = arith.constant 0 : i32
      %dma_start3A_1047 = arith.constant 0 : i32
      %dma_start3A_1048 = tpu.memref_slice %arg4[%add3A_1036, %dma_start3A_1046, %dma_start3A_1047] : memref<4096x50x128xf32, #tpu.memory_space<hbm>> -> memref<1x50x128xf32, #tpu.memory_space<hbm>>
      %dma_start3A_1049 = tpu.memref_squeeze %dma_start3A_1048 : memref<1x50x128xf32, #tpu.memory_space<hbm>> -> memref<50x128xf32, #tpu.memory_space<hbm>>
      %dma_start3A_1050 = tpu.memref_slice %arg8[%dma_start3A_1038] : memref<8x!tpu.dma_semaphore, #tpu.memory_space<semaphore_mem>> -> memref<1x!tpu.dma_semaphore, #tpu.memory_space<semaphore_mem>>
      %dma_start3A_1051 = tpu.memref_squeeze %dma_start3A_1050 : memref<1x!tpu.dma_semaphore, #tpu.memory_space<semaphore_mem>> -> memref<!tpu.dma_semaphore, #tpu.memory_space<semaphore_mem>>
      %dma_start3A_1052 = arith.constant 0 : i32
      %dma_start3A_1053 = arith.constant 0 : i32
      %dma_start3A_1054 = tpu.memref_slice %arg4[%add3A_1036, %dma_start3A_1052, %dma_start3A_1053] : memref<4096x50x128xf32, #tpu.memory_space<hbm>> -> memref<1x50x128xf32, #tpu.memory_space<hbm>>
      %dma_start3A_1055 = tpu.memref_squeeze %dma_start3A_1054 : memref<1x50x128xf32, #tpu.memory_space<hbm>> -> memref<50x128xf32, #tpu.memory_space<hbm>>
      %dma_start3A_1056 = arith.constant 0 : i32
      %dma_start3A_1057 = arith.constant 0 : i32
      %dma_start3A_1058 = tpu.memref_slice %arg6[%dma_start3A_1037, %dma_start3A_1056, %dma_start3A_1057] : memref<8x100x128xf32, #tpu.memory_space<vmem>> -> memref<1x100x128xf32, #tpu.memory_space<vmem>>
      %dma_start3A_1059 = tpu.memref_squeeze %dma_start3A_1058 : memref<1x100x128xf32, #tpu.memory_space<vmem>> -> memref<100x128xf32, #tpu.memory_space<vmem>>
      %dma_start3A_1060 = arith.constant 0 : i32
      %dma_start3A_1061 = arith.constant 0 : i32
      %dma_start3A_1062 = tpu.memref_slice %dma_start3A_1059[%dma_start3A_1060, %dma_start3A_1061] : memref<100x128xf32, #tpu.memory_space<vmem>> -> memref<50x128xf32, #tpu.memory_space<vmem>>
      tpu.enqueue_dma source(%dma_start3A_1062 : memref<50x128xf32, #tpu.memory_space<vmem>>) target(%dma_start3A_1055 : memref<50x128xf32, #tpu.memory_space<hbm>>) target_semaphore(%dma_start3A_1051 : memref<!tpu.dma_semaphore, #tpu.memory_space<semaphore_mem>>)
      %mul3A_1063 = arith.constant 2 : i32
      %mul3A_1064 = arith.muli %add3A_1017, %mul3A_1063 : i32
      %add3A_1065 = arith.addi %mul3A_2, %mul3A_1064 : i32
      %add3A_1066 = arith.constant 1 : i32
      %add3A_1067 = arith.addi %add3A_1065, %add3A_1066 : i32
      %dma_start3A_1068 = arith.constant 6 : i32
      %dma_start3A_1069 = arith.constant 6 : i32
      %dma_start3A_1070 = arith.constant 0 : i32
      %dma_start3A_1071 = arith.constant 0 : i32
      %dma_start3A_1072 = tpu.memref_slice %arg6[%dma_start3A_1068, %dma_start3A_1070, %dma_start3A_1071] : memref<8x100x128xf32, #tpu.memory_space<vmem>> -> memref<1x100x128xf32, #tpu.memory_space<vmem>>
      %dma_start3A_1073 = tpu.memref_squeeze %dma_start3A_1072 : memref<1x100x128xf32, #tpu.memory_space<vmem>> -> memref<100x128xf32, #tpu.memory_space<vmem>>
      %dma_start3A_1074 = arith.constant 50 : i32
      %dma_start3A_1075 = arith.constant 0 : i32
      %dma_start3A_1076 = tpu.memref_slice %dma_start3A_1073[%dma_start3A_1074, %dma_start3A_1075] : memref<100x128xf32, #tpu.memory_space<vmem>> -> memref<50x128xf32, #tpu.memory_space<vmem>>
      %dma_start3A_1077 = arith.constant 0 : i32
      %dma_start3A_1078 = arith.constant 0 : i32
      %dma_start3A_1079 = tpu.memref_slice %arg4[%add3A_1067, %dma_start3A_1077, %dma_start3A_1078] : memref<4096x50x128xf32, #tpu.memory_space<hbm>> -> memref<1x50x128xf32, #tpu.memory_space<hbm>>
      %dma_start3A_1080 = tpu.memref_squeeze %dma_start3A_1079 : memref<1x50x128xf32, #tpu.memory_space<hbm>> -> memref<50x128xf32, #tpu.memory_space<hbm>>
      %dma_start3A_1081 = tpu.memref_slice %arg8[%dma_start3A_1069] : memref<8x!tpu.dma_semaphore, #tpu.memory_space<semaphore_mem>> -> memref<1x!tpu.dma_semaphore, #tpu.memory_space<semaphore_mem>>
      %dma_start3A_1082 = tpu.memref_squeeze %dma_start3A_1081 : memref<1x!tpu.dma_semaphore, #tpu.memory_space<semaphore_mem>> -> memref<!tpu.dma_semaphore, #tpu.memory_space<semaphore_mem>>
      %dma_start3A_1083 = arith.constant 0 : i32
      %dma_start3A_1084 = arith.constant 0 : i32
      %dma_start3A_1085 = tpu.memref_slice %arg4[%add3A_1067, %dma_start3A_1083, %dma_start3A_1084] : memref<4096x50x128xf32, #tpu.memory_space<hbm>> -> memref<1x50x128xf32, #tpu.memory_space<hbm>>
      %dma_start3A_1086 = tpu.memref_squeeze %dma_start3A_1085 : memref<1x50x128xf32, #tpu.memory_space<hbm>> -> memref<50x128xf32, #tpu.memory_space<hbm>>
      %dma_start3A_1087 = arith.constant 0 : i32
      %dma_start3A_1088 = arith.constant 0 : i32
      %dma_start3A_1089 = tpu.memref_slice %arg6[%dma_start3A_1068, %dma_start3A_1087, %dma_start3A_1088] : memref<8x100x128xf32, #tpu.memory_space<vmem>> -> memref<1x100x128xf32, #tpu.memory_space<vmem>>
      %dma_start3A_1090 = tpu.memref_squeeze %dma_start3A_1089 : memref<1x100x128xf32, #tpu.memory_space<vmem>> -> memref<100x128xf32, #tpu.memory_space<vmem>>
      %dma_start3A_1091 = arith.constant 50 : i32
      %dma_start3A_1092 = arith.constant 0 : i32
      %dma_start3A_1093 = tpu.memref_slice %dma_start3A_1090[%dma_start3A_1091, %dma_start3A_1092] : memref<100x128xf32, #tpu.memory_space<vmem>> -> memref<50x128xf32, #tpu.memory_space<vmem>>
      tpu.enqueue_dma source(%dma_start3A_1093 : memref<50x128xf32, #tpu.memory_space<vmem>>) target(%dma_start3A_1086 : memref<50x128xf32, #tpu.memory_space<hbm>>) target_semaphore(%dma_start3A_1082 : memref<!tpu.dma_semaphore, #tpu.memory_space<semaphore_mem>>)
      %sub3A_1094 = arith.constant 2 : i32
      %sub3A_1095 = arith.subi %add3A_1017, %sub3A_1094 : i32
      %mul3A_1096 = arith.constant 2 : i32
      %mul3A_1097 = arith.muli %sub3A_1095, %mul3A_1096 : i32
      %add3A_1098 = arith.addi %mul3A_2, %mul3A_1097 : i32
      %add3A_1099 = arith.constant 0 : i32
      %add3A_1100 = arith.addi %add3A_1098, %add3A_1099 : i32
      %dma_wait3A_1101 = arith.constant 4 : i32
      %dma_wait3A_1102 = arith.constant 4 : i32
      %dma_wait3A_1103 = arith.constant 0 : i32
      %dma_wait3A_1104 = arith.constant 0 : i32
      %dma_wait3A_1105 = tpu.memref_slice %arg6[%dma_wait3A_1101, %dma_wait3A_1103, %dma_wait3A_1104] : memref<8x100x128xf32, #tpu.memory_space<vmem>> -> memref<1x100x128xf32, #tpu.memory_space<vmem>>
      %dma_wait3A_1106 = tpu.memref_squeeze %dma_wait3A_1105 : memref<1x100x128xf32, #tpu.memory_space<vmem>> -> memref<100x128xf32, #tpu.memory_space<vmem>>
      %dma_wait3A_1107 = arith.constant 0 : i32
      %dma_wait3A_1108 = arith.constant 0 : i32
      %dma_wait3A_1109 = tpu.memref_slice %dma_wait3A_1106[%dma_wait3A_1107, %dma_wait3A_1108] : memref<100x128xf32, #tpu.memory_space<vmem>> -> memref<50x128xf32, #tpu.memory_space<vmem>>
      %dma_wait3A_1110 = arith.constant 0 : i32
      %dma_wait3A_1111 = arith.constant 0 : i32
      %dma_wait3A_1112 = tpu.memref_slice %arg4[%add3A_1100, %dma_wait3A_1110, %dma_wait3A_1111] : memref<4096x50x128xf32, #tpu.memory_space<hbm>> -> memref<1x50x128xf32, #tpu.memory_space<hbm>>
      %dma_wait3A_1113 = tpu.memref_squeeze %dma_wait3A_1112 : memref<1x50x128xf32, #tpu.memory_space<hbm>> -> memref<50x128xf32, #tpu.memory_space<hbm>>
      %dma_wait3A_1114 = tpu.memref_slice %arg8[%dma_wait3A_1102] : memref<8x!tpu.dma_semaphore, #tpu.memory_space<semaphore_mem>> -> memref<1x!tpu.dma_semaphore, #tpu.memory_space<semaphore_mem>>
      %dma_wait3A_1115 = tpu.memref_squeeze %dma_wait3A_1114 : memref<1x!tpu.dma_semaphore, #tpu.memory_space<semaphore_mem>> -> memref<!tpu.dma_semaphore, #tpu.memory_space<semaphore_mem>>
      %dma_wait3A_1116 = arith.constant 0 : i32
      %dma_wait3A_1117 = arith.constant 0 : i32
      %dma_wait3A_1118 = tpu.memref_slice %arg4[%add3A_1100, %dma_wait3A_1116, %dma_wait3A_1117] : memref<4096x50x128xf32, #tpu.memory_space<hbm>> -> memref<1x50x128xf32, #tpu.memory_space<hbm>>
      %dma_wait3A_1119 = tpu.memref_squeeze %dma_wait3A_1118 : memref<1x50x128xf32, #tpu.memory_space<hbm>> -> memref<50x128xf32, #tpu.memory_space<hbm>>
      %dma_wait3A_1120 = arith.constant 0 : i32
      %dma_wait3A_1121 = arith.constant 0 : i32
      %dma_wait3A_1122 = tpu.memref_slice %arg6[%dma_wait3A_1101, %dma_wait3A_1120, %dma_wait3A_1121] : memref<8x100x128xf32, #tpu.memory_space<vmem>> -> memref<1x100x128xf32, #tpu.memory_space<vmem>>
      %dma_wait3A_1123 = tpu.memref_squeeze %dma_wait3A_1122 : memref<1x100x128xf32, #tpu.memory_space<vmem>> -> memref<100x128xf32, #tpu.memory_space<vmem>>
      %dma_wait3A_1124 = arith.constant 0 : i32
      %dma_wait3A_1125 = arith.constant 0 : i32
      %dma_wait3A_1126 = tpu.memref_slice %dma_wait3A_1123[%dma_wait3A_1124, %dma_wait3A_1125] : memref<100x128xf32, #tpu.memory_space<vmem>> -> memref<50x128xf32, #tpu.memory_space<vmem>>
      tpu.wait_dma2 semaphore(%dma_wait3A_1115 : memref<!tpu.dma_semaphore, #tpu.memory_space<semaphore_mem>>) src(%dma_wait3A_1126 : memref<50x128xf32, #tpu.memory_space<vmem>>) dst(%dma_wait3A_1119 : memref<50x128xf32, #tpu.memory_space<hbm>>)
      %mul3A_1127 = arith.constant 2 : i32
      %mul3A_1128 = arith.muli %sub3A_1095, %mul3A_1127 : i32
      %add3A_1129 = arith.addi %mul3A_2, %mul3A_1128 : i32
      %add3A_1130 = arith.constant 1 : i32
      %add3A_1131 = arith.addi %add3A_1129, %add3A_1130 : i32
      %dma_wait3A_1132 = arith.constant 4 : i32
      %dma_wait3A_1133 = arith.constant 4 : i32
      %dma_wait3A_1134 = arith.constant 0 : i32
      %dma_wait3A_1135 = arith.constant 0 : i32
      %dma_wait3A_1136 = tpu.memref_slice %arg6[%dma_wait3A_1132, %dma_wait3A_1134, %dma_wait3A_1135] : memref<8x100x128xf32, #tpu.memory_space<vmem>> -> memref<1x100x128xf32, #tpu.memory_space<vmem>>
      %dma_wait3A_1137 = tpu.memref_squeeze %dma_wait3A_1136 : memref<1x100x128xf32, #tpu.memory_space<vmem>> -> memref<100x128xf32, #tpu.memory_space<vmem>>
      %dma_wait3A_1138 = arith.constant 50 : i32
      %dma_wait3A_1139 = arith.constant 0 : i32
      %dma_wait3A_1140 = tpu.memref_slice %dma_wait3A_1137[%dma_wait3A_1138, %dma_wait3A_1139] : memref<100x128xf32, #tpu.memory_space<vmem>> -> memref<50x128xf32, #tpu.memory_space<vmem>>
      %dma_wait3A_1141 = arith.constant 0 : i32
      %dma_wait3A_1142 = arith.constant 0 : i32
      %dma_wait3A_1143 = tpu.memref_slice %arg4[%add3A_1131, %dma_wait3A_1141, %dma_wait3A_1142] : memref<4096x50x128xf32, #tpu.memory_space<hbm>> -> memref<1x50x128xf32, #tpu.memory_space<hbm>>
      %dma_wait3A_1144 = tpu.memref_squeeze %dma_wait3A_1143 : memref<1x50x128xf32, #tpu.memory_space<hbm>> -> memref<50x128xf32, #tpu.memory_space<hbm>>
      %dma_wait3A_1145 = tpu.memref_slice %arg8[%dma_wait3A_1133] : memref<8x!tpu.dma_semaphore, #tpu.memory_space<semaphore_mem>> -> memref<1x!tpu.dma_semaphore, #tpu.memory_space<semaphore_mem>>
      %dma_wait3A_1146 = tpu.memref_squeeze %dma_wait3A_1145 : memref<1x!tpu.dma_semaphore, #tpu.memory_space<semaphore_mem>> -> memref<!tpu.dma_semaphore, #tpu.memory_space<semaphore_mem>>
      %dma_wait3A_1147 = arith.constant 0 : i32
      %dma_wait3A_1148 = arith.constant 0 : i32
      %dma_wait3A_1149 = tpu.memref_slice %arg4[%add3A_1131, %dma_wait3A_1147, %dma_wait3A_1148] : memref<4096x50x128xf32, #tpu.memory_space<hbm>> -> memref<1x50x128xf32, #tpu.memory_space<hbm>>
      %dma_wait3A_1150 = tpu.memref_squeeze %dma_wait3A_1149 : memref<1x50x128xf32, #tpu.memory_space<hbm>> -> memref<50x128xf32, #tpu.memory_space<hbm>>
      %dma_wait3A_1151 = arith.constant 0 : i32
      %dma_wait3A_1152 = arith.constant 0 : i32
      %dma_wait3A_1153 = tpu.memref_slice %arg6[%dma_wait3A_1132, %dma_wait3A_1151, %dma_wait3A_1152] : memref<8x100x128xf32, #tpu.memory_space<vmem>> -> memref<1x100x128xf32, #tpu.memory_space<vmem>>
      %dma_wait3A_1154 = tpu.memref_squeeze %dma_wait3A_1153 : memref<1x100x128xf32, #tpu.memory_space<vmem>> -> memref<100x128xf32, #tpu.memory_space<vmem>>
      %dma_wait3A_1155 = arith.constant 50 : i32
      %dma_wait3A_1156 = arith.constant 0 : i32
      %dma_wait3A_1157 = tpu.memref_slice %dma_wait3A_1154[%dma_wait3A_1155, %dma_wait3A_1156] : memref<100x128xf32, #tpu.memory_space<vmem>> -> memref<50x128xf32, #tpu.memory_space<vmem>>
      tpu.wait_dma2 semaphore(%dma_wait3A_1146 : memref<!tpu.dma_semaphore, #tpu.memory_space<semaphore_mem>>) src(%dma_wait3A_1157 : memref<50x128xf32, #tpu.memory_space<vmem>>) dst(%dma_wait3A_1150 : memref<50x128xf32, #tpu.memory_space<hbm>>)
      %lt3A_1158 = arith.constant 7 : i32
      %lt3A_1159 = arith.cmpi slt, %scan3A_216, %lt3A_1158 : i32
      %convert_element_type3A_1160 = arith.extui %lt3A_1159 : i1 to i32
      %cond3A_1161 = arith.constant 0 : i32
      %cond3A_1162 = arith.cmpi ne, %convert_element_type3A_1160, %cond3A_1161 : i32
      scf.if %cond3A_1162 {
        %add3A_1312 = arith.constant 8 : i32
        %add3A_1313 = arith.addi %add3A_1017, %add3A_1312 : i32
        %sub3A_1314 = arith.constant 2 : i32
        %sub3A_1315 = arith.subi %add3A_1313, %sub3A_1314 : i32
        %dma_start3A_1316 = arith.constant 4 : i32
        %dma_start3A_1317 = arith.constant 4 : i32
        %dma_start3A_1318 = arith.constant 0 : i32
        %dma_start3A_1319 = arith.constant 0 : i32
        %dma_start3A_1320 = tpu.memref_slice %arg6[%dma_start3A_1316, %dma_start3A_1318, %dma_start3A_1319] : memref<8x100x128xf32, #tpu.memory_space<vmem>> -> memref<1x100x128xf32, #tpu.memory_space<vmem>>
        %dma_start3A_1321 = tpu.memref_squeeze %dma_start3A_1320 : memref<1x100x128xf32, #tpu.memory_space<vmem>> -> memref<100x128xf32, #tpu.memory_space<vmem>>
        %dma_start3A_1322 = arith.constant 0 : i32
        %dma_start3A_1323 = tpu.memref_slice %arg5[%sub3A_1315, %dma_start3A_1322] : memref<64x100xi32, #tpu.memory_space<vmem>> -> memref<1x100xi32, #tpu.memory_space<vmem>>
        %dma_start3A_1324 = tpu.memref_squeeze %dma_start3A_1323 : memref<1x100xi32, #tpu.memory_space<vmem>> -> memref<100xi32, #tpu.memory_space<vmem>>
        %dma_start3A_1325 = arith.constant 0 : i32
        %dma_start3A_1326 = arith.constant 0 : i32
        %dma_start3A_1327 = tpu.memref_slice %arg3[%dma_start3A_1325, %dma_start3A_1326] : memref<100000x128xf32, #tpu.memory_space<hbm>> -> memref<100000x128xf32, #tpu.memory_space<hbm>>
        %dma_start3A_1328 = tpu.memref_slice %arg7[%dma_start3A_1317] : memref<8x!tpu.dma_semaphore, #tpu.memory_space<semaphore_mem>> -> memref<1x!tpu.dma_semaphore, #tpu.memory_space<semaphore_mem>>
        %dma_start3A_1329 = tpu.memref_squeeze %dma_start3A_1328 : memref<1x!tpu.dma_semaphore, #tpu.memory_space<semaphore_mem>> -> memref<!tpu.dma_semaphore, #tpu.memory_space<semaphore_mem>>
        tpu.enqueue_indirect_dma source(%dma_start3A_1327 : memref<100000x128xf32, #tpu.memory_space<hbm>>) target(%dma_start3A_1321 : memref<100x128xf32, #tpu.memory_space<vmem>>) offsets(%dma_start3A_1324 : memref<100xi32, #tpu.memory_space<vmem>>) semaphore(%dma_start3A_1329 : memref<!tpu.dma_semaphore, #tpu.memory_space<semaphore_mem>>)
      } else {
      }
      %mul3A_1163 = arith.constant 8 : i32
      %mul3A_1164 = arith.muli %scan3A_216, %mul3A_1163 : i32
      %add3A_1165 = arith.constant 7 : i32
      %add3A_1166 = arith.addi %mul3A_1164, %add3A_1165 : i32
      %dma_wait3A_1167 = arith.constant 7 : i32
      %dma_wait3A_1168 = arith.constant 7 : i32
      %dma_wait3A_1169 = arith.constant 0 : i32
      %dma_wait3A_1170 = arith.constant 0 : i32
      %dma_wait3A_1171 = tpu.memref_slice %arg6[%dma_wait3A_1167, %dma_wait3A_1169, %dma_wait3A_1170] : memref<8x100x128xf32, #tpu.memory_space<vmem>> -> memref<1x100x128xf32, #tpu.memory_space<vmem>>
      %dma_wait3A_1172 = tpu.memref_squeeze %dma_wait3A_1171 : memref<1x100x128xf32, #tpu.memory_space<vmem>> -> memref<100x128xf32, #tpu.memory_space<vmem>>
      %dma_wait3A_1173 = arith.constant 0 : i32
      %dma_wait3A_1174 = tpu.memref_slice %arg5[%add3A_1166, %dma_wait3A_1173] : memref<64x100xi32, #tpu.memory_space<vmem>> -> memref<1x100xi32, #tpu.memory_space<vmem>>
      %dma_wait3A_1175 = tpu.memref_squeeze %dma_wait3A_1174 : memref<1x100xi32, #tpu.memory_space<vmem>> -> memref<100xi32, #tpu.memory_space<vmem>>
      %dma_wait3A_1176 = arith.constant 0 : i32
      %dma_wait3A_1177 = arith.constant 0 : i32
      %dma_wait3A_1178 = tpu.memref_slice %arg3[%dma_wait3A_1176, %dma_wait3A_1177] : memref<100000x128xf32, #tpu.memory_space<hbm>> -> memref<100000x128xf32, #tpu.memory_space<hbm>>
      %dma_wait3A_1179 = tpu.memref_slice %arg7[%dma_wait3A_1168] : memref<8x!tpu.dma_semaphore, #tpu.memory_space<semaphore_mem>> -> memref<1x!tpu.dma_semaphore, #tpu.memory_space<semaphore_mem>>
      %dma_wait3A_1180 = tpu.memref_squeeze %dma_wait3A_1179 : memref<1x!tpu.dma_semaphore, #tpu.memory_space<semaphore_mem>> -> memref<!tpu.dma_semaphore, #tpu.memory_space<semaphore_mem>>
      tpu.wait_indirect_dma semaphore(%dma_wait3A_1180 : memref<!tpu.dma_semaphore, #tpu.memory_space<semaphore_mem>>) src(%dma_wait3A_1178 : memref<100000x128xf32, #tpu.memory_space<hbm>>) dst(%dma_wait3A_1172 : memref<100x128xf32, #tpu.memory_space<vmem>>)
      %mul3A_1181 = arith.constant 2 : i32
      %mul3A_1182 = arith.muli %add3A_1166, %mul3A_1181 : i32
      %add3A_1183 = arith.addi %mul3A_2, %mul3A_1182 : i32
      %add3A_1184 = arith.constant 0 : i32
      %add3A_1185 = arith.addi %add3A_1183, %add3A_1184 : i32
      %dma_start3A_1186 = arith.constant 7 : i32
      %dma_start3A_1187 = arith.constant 7 : i32
      %dma_start3A_1188 = arith.constant 0 : i32
      %dma_start3A_1189 = arith.constant 0 : i32
      %dma_start3A_1190 = tpu.memref_slice %arg6[%dma_start3A_1186, %dma_start3A_1188, %dma_start3A_1189] : memref<8x100x128xf32, #tpu.memory_space<vmem>> -> memref<1x100x128xf32, #tpu.memory_space<vmem>>
      %dma_start3A_1191 = tpu.memref_squeeze %dma_start3A_1190 : memref<1x100x128xf32, #tpu.memory_space<vmem>> -> memref<100x128xf32, #tpu.memory_space<vmem>>
      %dma_start3A_1192 = arith.constant 0 : i32
      %dma_start3A_1193 = arith.constant 0 : i32
      %dma_start3A_1194 = tpu.memref_slice %dma_start3A_1191[%dma_start3A_1192, %dma_start3A_1193] : memref<100x128xf32, #tpu.memory_space<vmem>> -> memref<50x128xf32, #tpu.memory_space<vmem>>
      %dma_start3A_1195 = arith.constant 0 : i32
      %dma_start3A_1196 = arith.constant 0 : i32
      %dma_start3A_1197 = tpu.memref_slice %arg4[%add3A_1185, %dma_start3A_1195, %dma_start3A_1196] : memref<4096x50x128xf32, #tpu.memory_space<hbm>> -> memref<1x50x128xf32, #tpu.memory_space<hbm>>
      %dma_start3A_1198 = tpu.memref_squeeze %dma_start3A_1197 : memref<1x50x128xf32, #tpu.memory_space<hbm>> -> memref<50x128xf32, #tpu.memory_space<hbm>>
      %dma_start3A_1199 = tpu.memref_slice %arg8[%dma_start3A_1187] : memref<8x!tpu.dma_semaphore, #tpu.memory_space<semaphore_mem>> -> memref<1x!tpu.dma_semaphore, #tpu.memory_space<semaphore_mem>>
      %dma_start3A_1200 = tpu.memref_squeeze %dma_start3A_1199 : memref<1x!tpu.dma_semaphore, #tpu.memory_space<semaphore_mem>> -> memref<!tpu.dma_semaphore, #tpu.memory_space<semaphore_mem>>
      %dma_start3A_1201 = arith.constant 0 : i32
      %dma_start3A_1202 = arith.constant 0 : i32
      %dma_start3A_1203 = tpu.memref_slice %arg4[%add3A_1185, %dma_start3A_1201, %dma_start3A_1202] : memref<4096x50x128xf32, #tpu.memory_space<hbm>> -> memref<1x50x128xf32, #tpu.memory_space<hbm>>
      %dma_start3A_1204 = tpu.memref_squeeze %dma_start3A_1203 : memref<1x50x128xf32, #tpu.memory_space<hbm>> -> memref<50x128xf32, #tpu.memory_space<hbm>>
      %dma_start3A_1205 = arith.constant 0 : i32
      %dma_start3A_1206 = arith.constant 0 : i32
      %dma_start3A_1207 = tpu.memref_slice %arg6[%dma_start3A_1186, %dma_start3A_1205, %dma_start3A_1206] : memref<8x100x128xf32, #tpu.memory_space<vmem>> -> memref<1x100x128xf32, #tpu.memory_space<vmem>>
      %dma_start3A_1208 = tpu.memref_squeeze %dma_start3A_1207 : memref<1x100x128xf32, #tpu.memory_space<vmem>> -> memref<100x128xf32, #tpu.memory_space<vmem>>
      %dma_start3A_1209 = arith.constant 0 : i32
      %dma_start3A_1210 = arith.constant 0 : i32
      %dma_start3A_1211 = tpu.memref_slice %dma_start3A_1208[%dma_start3A_1209, %dma_start3A_1210] : memref<100x128xf32, #tpu.memory_space<vmem>> -> memref<50x128xf32, #tpu.memory_space<vmem>>
      tpu.enqueue_dma source(%dma_start3A_1211 : memref<50x128xf32, #tpu.memory_space<vmem>>) target(%dma_start3A_1204 : memref<50x128xf32, #tpu.memory_space<hbm>>) target_semaphore(%dma_start3A_1200 : memref<!tpu.dma_semaphore, #tpu.memory_space<semaphore_mem>>)
      %mul3A_1212 = arith.constant 2 : i32
      %mul3A_1213 = arith.muli %add3A_1166, %mul3A_1212 : i32
      %add3A_1214 = arith.addi %mul3A_2, %mul3A_1213 : i32
      %add3A_1215 = arith.constant 1 : i32
      %add3A_1216 = arith.addi %add3A_1214, %add3A_1215 : i32
      %dma_start3A_1217 = arith.constant 7 : i32
      %dma_start3A_1218 = arith.constant 7 : i32
      %dma_start3A_1219 = arith.constant 0 : i32
      %dma_start3A_1220 = arith.constant 0 : i32
      %dma_start3A_1221 = tpu.memref_slice %arg6[%dma_start3A_1217, %dma_start3A_1219, %dma_start3A_1220] : memref<8x100x128xf32, #tpu.memory_space<vmem>> -> memref<1x100x128xf32, #tpu.memory_space<vmem>>
      %dma_start3A_1222 = tpu.memref_squeeze %dma_start3A_1221 : memref<1x100x128xf32, #tpu.memory_space<vmem>> -> memref<100x128xf32, #tpu.memory_space<vmem>>
      %dma_start3A_1223 = arith.constant 50 : i32
      %dma_start3A_1224 = arith.constant 0 : i32
      %dma_start3A_1225 = tpu.memref_slice %dma_start3A_1222[%dma_start3A_1223, %dma_start3A_1224] : memref<100x128xf32, #tpu.memory_space<vmem>> -> memref<50x128xf32, #tpu.memory_space<vmem>>
      %dma_start3A_1226 = arith.constant 0 : i32
      %dma_start3A_1227 = arith.constant 0 : i32
      %dma_start3A_1228 = tpu.memref_slice %arg4[%add3A_1216, %dma_start3A_1226, %dma_start3A_1227] : memref<4096x50x128xf32, #tpu.memory_space<hbm>> -> memref<1x50x128xf32, #tpu.memory_space<hbm>>
      %dma_start3A_1229 = tpu.memref_squeeze %dma_start3A_1228 : memref<1x50x128xf32, #tpu.memory_space<hbm>> -> memref<50x128xf32, #tpu.memory_space<hbm>>
      %dma_start3A_1230 = tpu.memref_slice %arg8[%dma_start3A_1218] : memref<8x!tpu.dma_semaphore, #tpu.memory_space<semaphore_mem>> -> memref<1x!tpu.dma_semaphore, #tpu.memory_space<semaphore_mem>>
      %dma_start3A_1231 = tpu.memref_squeeze %dma_start3A_1230 : memref<1x!tpu.dma_semaphore, #tpu.memory_space<semaphore_mem>> -> memref<!tpu.dma_semaphore, #tpu.memory_space<semaphore_mem>>
      %dma_start3A_1232 = arith.constant 0 : i32
      %dma_start3A_1233 = arith.constant 0 : i32
      %dma_start3A_1234 = tpu.memref_slice %arg4[%add3A_1216, %dma_start3A_1232, %dma_start3A_1233] : memref<4096x50x128xf32, #tpu.memory_space<hbm>> -> memref<1x50x128xf32, #tpu.memory_space<hbm>>
      %dma_start3A_1235 = tpu.memref_squeeze %dma_start3A_1234 : memref<1x50x128xf32, #tpu.memory_space<hbm>> -> memref<50x128xf32, #tpu.memory_space<hbm>>
      %dma_start3A_1236 = arith.constant 0 : i32
      %dma_start3A_1237 = arith.constant 0 : i32
      %dma_start3A_1238 = tpu.memref_slice %arg6[%dma_start3A_1217, %dma_start3A_1236, %dma_start3A_1237] : memref<8x100x128xf32, #tpu.memory_space<vmem>> -> memref<1x100x128xf32, #tpu.memory_space<vmem>>
      %dma_start3A_1239 = tpu.memref_squeeze %dma_start3A_1238 : memref<1x100x128xf32, #tpu.memory_space<vmem>> -> memref<100x128xf32, #tpu.memory_space<vmem>>
      %dma_start3A_1240 = arith.constant 50 : i32
      %dma_start3A_1241 = arith.constant 0 : i32
      %dma_start3A_1242 = tpu.memref_slice %dma_start3A_1239[%dma_start3A_1240, %dma_start3A_1241] : memref<100x128xf32, #tpu.memory_space<vmem>> -> memref<50x128xf32, #tpu.memory_space<vmem>>
      tpu.enqueue_dma source(%dma_start3A_1242 : memref<50x128xf32, #tpu.memory_space<vmem>>) target(%dma_start3A_1235 : memref<50x128xf32, #tpu.memory_space<hbm>>) target_semaphore(%dma_start3A_1231 : memref<!tpu.dma_semaphore, #tpu.memory_space<semaphore_mem>>)
      %sub3A_1243 = arith.constant 2 : i32
      %sub3A_1244 = arith.subi %add3A_1166, %sub3A_1243 : i32
      %mul3A_1245 = arith.constant 2 : i32
      %mul3A_1246 = arith.muli %sub3A_1244, %mul3A_1245 : i32
      %add3A_1247 = arith.addi %mul3A_2, %mul3A_1246 : i32
      %add3A_1248 = arith.constant 0 : i32
      %add3A_1249 = arith.addi %add3A_1247, %add3A_1248 : i32
      %dma_wait3A_1250 = arith.constant 5 : i32
      %dma_wait3A_1251 = arith.constant 5 : i32
      %dma_wait3A_1252 = arith.constant 0 : i32
      %dma_wait3A_1253 = arith.constant 0 : i32
      %dma_wait3A_1254 = tpu.memref_slice %arg6[%dma_wait3A_1250, %dma_wait3A_1252, %dma_wait3A_1253] : memref<8x100x128xf32, #tpu.memory_space<vmem>> -> memref<1x100x128xf32, #tpu.memory_space<vmem>>
      %dma_wait3A_1255 = tpu.memref_squeeze %dma_wait3A_1254 : memref<1x100x128xf32, #tpu.memory_space<vmem>> -> memref<100x128xf32, #tpu.memory_space<vmem>>
      %dma_wait3A_1256 = arith.constant 0 : i32
      %dma_wait3A_1257 = arith.constant 0 : i32
      %dma_wait3A_1258 = tpu.memref_slice %dma_wait3A_1255[%dma_wait3A_1256, %dma_wait3A_1257] : memref<100x128xf32, #tpu.memory_space<vmem>> -> memref<50x128xf32, #tpu.memory_space<vmem>>
      %dma_wait3A_1259 = arith.constant 0 : i32
      %dma_wait3A_1260 = arith.constant 0 : i32
      %dma_wait3A_1261 = tpu.memref_slice %arg4[%add3A_1249, %dma_wait3A_1259, %dma_wait3A_1260] : memref<4096x50x128xf32, #tpu.memory_space<hbm>> -> memref<1x50x128xf32, #tpu.memory_space<hbm>>
      %dma_wait3A_1262 = tpu.memref_squeeze %dma_wait3A_1261 : memref<1x50x128xf32, #tpu.memory_space<hbm>> -> memref<50x128xf32, #tpu.memory_space<hbm>>
      %dma_wait3A_1263 = tpu.memref_slice %arg8[%dma_wait3A_1251] : memref<8x!tpu.dma_semaphore, #tpu.memory_space<semaphore_mem>> -> memref<1x!tpu.dma_semaphore, #tpu.memory_space<semaphore_mem>>
      %dma_wait3A_1264 = tpu.memref_squeeze %dma_wait3A_1263 : memref<1x!tpu.dma_semaphore, #tpu.memory_space<semaphore_mem>> -> memref<!tpu.dma_semaphore, #tpu.memory_space<semaphore_mem>>
      %dma_wait3A_1265 = arith.constant 0 : i32
      %dma_wait3A_1266 = arith.constant 0 : i32
      %dma_wait3A_1267 = tpu.memref_slice %arg4[%add3A_1249, %dma_wait3A_1265, %dma_wait3A_1266] : memref<4096x50x128xf32, #tpu.memory_space<hbm>> -> memref<1x50x128xf32, #tpu.memory_space<hbm>>
      %dma_wait3A_1268 = tpu.memref_squeeze %dma_wait3A_1267 : memref<1x50x128xf32, #tpu.memory_space<hbm>> -> memref<50x128xf32, #tpu.memory_space<hbm>>
      %dma_wait3A_1269 = arith.constant 0 : i32
      %dma_wait3A_1270 = arith.constant 0 : i32
      %dma_wait3A_1271 = tpu.memref_slice %arg6[%dma_wait3A_1250, %dma_wait3A_1269, %dma_wait3A_1270] : memref<8x100x128xf32, #tpu.memory_space<vmem>> -> memref<1x100x128xf32, #tpu.memory_space<vmem>>
      %dma_wait3A_1272 = tpu.memref_squeeze %dma_wait3A_1271 : memref<1x100x128xf32, #tpu.memory_space<vmem>> -> memref<100x128xf32, #tpu.memory_space<vmem>>
      %dma_wait3A_1273 = arith.constant 0 : i32
      %dma_wait3A_1274 = arith.constant 0 : i32
      %dma_wait3A_1275 = tpu.memref_slice %dma_wait3A_1272[%dma_wait3A_1273, %dma_wait3A_1274] : memref<100x128xf32, #tpu.memory_space<vmem>> -> memref<50x128xf32, #tpu.memory_space<vmem>>
      tpu.wait_dma2 semaphore(%dma_wait3A_1264 : memref<!tpu.dma_semaphore, #tpu.memory_space<semaphore_mem>>) src(%dma_wait3A_1275 : memref<50x128xf32, #tpu.memory_space<vmem>>) dst(%dma_wait3A_1268 : memref<50x128xf32, #tpu.memory_space<hbm>>)
      %mul3A_1276 = arith.constant 2 : i32
      %mul3A_1277 = arith.muli %sub3A_1244, %mul3A_1276 : i32
      %add3A_1278 = arith.addi %mul3A_2, %mul3A_1277 : i32
      %add3A_1279 = arith.constant 1 : i32
      %add3A_1280 = arith.addi %add3A_1278, %add3A_1279 : i32
      %dma_wait3A_1281 = arith.constant 5 : i32
      %dma_wait3A_1282 = arith.constant 5 : i32
      %dma_wait3A_1283 = arith.constant 0 : i32
      %dma_wait3A_1284 = arith.constant 0 : i32
      %dma_wait3A_1285 = tpu.memref_slice %arg6[%dma_wait3A_1281, %dma_wait3A_1283, %dma_wait3A_1284] : memref<8x100x128xf32, #tpu.memory_space<vmem>> -> memref<1x100x128xf32, #tpu.memory_space<vmem>>
      %dma_wait3A_1286 = tpu.memref_squeeze %dma_wait3A_1285 : memref<1x100x128xf32, #tpu.memory_space<vmem>> -> memref<100x128xf32, #tpu.memory_space<vmem>>
      %dma_wait3A_1287 = arith.constant 50 : i32
      %dma_wait3A_1288 = arith.constant 0 : i32
      %dma_wait3A_1289 = tpu.memref_slice %dma_wait3A_1286[%dma_wait3A_1287, %dma_wait3A_1288] : memref<100x128xf32, #tpu.memory_space<vmem>> -> memref<50x128xf32, #tpu.memory_space<vmem>>
      %dma_wait3A_1290 = arith.constant 0 : i32
      %dma_wait3A_1291 = arith.constant 0 : i32
      %dma_wait3A_1292 = tpu.memref_slice %arg4[%add3A_1280, %dma_wait3A_1290, %dma_wait3A_1291] : memref<4096x50x128xf32, #tpu.memory_space<hbm>> -> memref<1x50x128xf32, #tpu.memory_space<hbm>>
      %dma_wait3A_1293 = tpu.memref_squeeze %dma_wait3A_1292 : memref<1x50x128xf32, #tpu.memory_space<hbm>> -> memref<50x128xf32, #tpu.memory_space<hbm>>
      %dma_wait3A_1294 = tpu.memref_slice %arg8[%dma_wait3A_1282] : memref<8x!tpu.dma_semaphore, #tpu.memory_space<semaphore_mem>> -> memref<1x!tpu.dma_semaphore, #tpu.memory_space<semaphore_mem>>
      %dma_wait3A_1295 = tpu.memref_squeeze %dma_wait3A_1294 : memref<1x!tpu.dma_semaphore, #tpu.memory_space<semaphore_mem>> -> memref<!tpu.dma_semaphore, #tpu.memory_space<semaphore_mem>>
      %dma_wait3A_1296 = arith.constant 0 : i32
      %dma_wait3A_1297 = arith.constant 0 : i32
      %dma_wait3A_1298 = tpu.memref_slice %arg4[%add3A_1280, %dma_wait3A_1296, %dma_wait3A_1297] : memref<4096x50x128xf32, #tpu.memory_space<hbm>> -> memref<1x50x128xf32, #tpu.memory_space<hbm>>
      %dma_wait3A_1299 = tpu.memref_squeeze %dma_wait3A_1298 : memref<1x50x128xf32, #tpu.memory_space<hbm>> -> memref<50x128xf32, #tpu.memory_space<hbm>>
      %dma_wait3A_1300 = arith.constant 0 : i32
      %dma_wait3A_1301 = arith.constant 0 : i32
      %dma_wait3A_1302 = tpu.memref_slice %arg6[%dma_wait3A_1281, %dma_wait3A_1300, %dma_wait3A_1301] : memref<8x100x128xf32, #tpu.memory_space<vmem>> -> memref<1x100x128xf32, #tpu.memory_space<vmem>>
      %dma_wait3A_1303 = tpu.memref_squeeze %dma_wait3A_1302 : memref<1x100x128xf32, #tpu.memory_space<vmem>> -> memref<100x128xf32, #tpu.memory_space<vmem>>
      %dma_wait3A_1304 = arith.constant 50 : i32
      %dma_wait3A_1305 = arith.constant 0 : i32
      %dma_wait3A_1306 = tpu.memref_slice %dma_wait3A_1303[%dma_wait3A_1304, %dma_wait3A_1305] : memref<100x128xf32, #tpu.memory_space<vmem>> -> memref<50x128xf32, #tpu.memory_space<vmem>>
      tpu.wait_dma2 semaphore(%dma_wait3A_1295 : memref<!tpu.dma_semaphore, #tpu.memory_space<semaphore_mem>>) src(%dma_wait3A_1306 : memref<50x128xf32, #tpu.memory_space<vmem>>) dst(%dma_wait3A_1299 : memref<50x128xf32, #tpu.memory_space<hbm>>)
      %lt3A_1307 = arith.constant 7 : i32
      %lt3A_1308 = arith.cmpi slt, %scan3A_216, %lt3A_1307 : i32
      %convert_element_type3A_1309 = arith.extui %lt3A_1308 : i1 to i32
      %cond3A_1310 = arith.constant 0 : i32
      %cond3A_1311 = arith.cmpi ne, %convert_element_type3A_1309, %cond3A_1310 : i32
      scf.if %cond3A_1311 {
        %add3A_1312 = arith.constant 8 : i32
        %add3A_1313 = arith.addi %add3A_1166, %add3A_1312 : i32
        %sub3A_1314 = arith.constant 2 : i32
        %sub3A_1315 = arith.subi %add3A_1313, %sub3A_1314 : i32
        %dma_start3A_1316 = arith.constant 5 : i32
        %dma_start3A_1317 = arith.constant 5 : i32
        %dma_start3A_1318 = arith.constant 0 : i32
        %dma_start3A_1319 = arith.constant 0 : i32
        %dma_start3A_1320 = tpu.memref_slice %arg6[%dma_start3A_1316, %dma_start3A_1318, %dma_start3A_1319] : memref<8x100x128xf32, #tpu.memory_space<vmem>> -> memref<1x100x128xf32, #tpu.memory_space<vmem>>
        %dma_start3A_1321 = tpu.memref_squeeze %dma_start3A_1320 : memref<1x100x128xf32, #tpu.memory_space<vmem>> -> memref<100x128xf32, #tpu.memory_space<vmem>>
        %dma_start3A_1322 = arith.constant 0 : i32
        %dma_start3A_1323 = tpu.memref_slice %arg5[%sub3A_1315, %dma_start3A_1322] : memref<64x100xi32, #tpu.memory_space<vmem>> -> memref<1x100xi32, #tpu.memory_space<vmem>>
        %dma_start3A_1324 = tpu.memref_squeeze %dma_start3A_1323 : memref<1x100xi32, #tpu.memory_space<vmem>> -> memref<100xi32, #tpu.memory_space<vmem>>
        %dma_start3A_1325 = arith.constant 0 : i32
        %dma_start3A_1326 = arith.constant 0 : i32
        %dma_start3A_1327 = tpu.memref_slice %arg3[%dma_start3A_1325, %dma_start3A_1326] : memref<100000x128xf32, #tpu.memory_space<hbm>> -> memref<100000x128xf32, #tpu.memory_space<hbm>>
        %dma_start3A_1328 = tpu.memref_slice %arg7[%dma_start3A_1317] : memref<8x!tpu.dma_semaphore, #tpu.memory_space<semaphore_mem>> -> memref<1x!tpu.dma_semaphore, #tpu.memory_space<semaphore_mem>>
        %dma_start3A_1329 = tpu.memref_squeeze %dma_start3A_1328 : memref<1x!tpu.dma_semaphore, #tpu.memory_space<semaphore_mem>> -> memref<!tpu.dma_semaphore, #tpu.memory_space<semaphore_mem>>
        tpu.enqueue_indirect_dma source(%dma_start3A_1327 : memref<100000x128xf32, #tpu.memory_space<hbm>>) target(%dma_start3A_1321 : memref<100x128xf32, #tpu.memory_space<vmem>>) offsets(%dma_start3A_1324 : memref<100xi32, #tpu.memory_space<vmem>>) semaphore(%dma_start3A_1329 : memref<!tpu.dma_semaphore, #tpu.memory_space<semaphore_mem>>)
      } else {
      }
    }
    %scan3A_96 = arith.constant 8 : i32
    %add3A_97 = arith.constant 124 : i32
    %add3A_98 = arith.addi %mul3A_2, %add3A_97 : i32
    %add3A_99 = arith.constant 0 : i32
    %add3A_100 = arith.addi %add3A_98, %add3A_99 : i32
    %dma_wait3A = arith.constant 6 : i32
    %dma_wait3A_101 = arith.constant 6 : i32
    %dma_wait3A_102 = arith.constant 0 : i32
    %dma_wait3A_103 = arith.constant 0 : i32
    %dma_wait3A_104 = tpu.memref_slice %arg6[%dma_wait3A, %dma_wait3A_102, %dma_wait3A_103] : memref<8x100x128xf32, #tpu.memory_space<vmem>> -> memref<1x100x128xf32, #tpu.memory_space<vmem>>
    %dma_wait3A_105 = tpu.memref_squeeze %dma_wait3A_104 : memref<1x100x128xf32, #tpu.memory_space<vmem>> -> memref<100x128xf32, #tpu.memory_space<vmem>>
    %dma_wait3A_106 = arith.constant 0 : i32
    %dma_wait3A_107 = arith.constant 0 : i32
    %dma_wait3A_108 = tpu.memref_slice %dma_wait3A_105[%dma_wait3A_106, %dma_wait3A_107] : memref<100x128xf32, #tpu.memory_space<vmem>> -> memref<50x128xf32, #tpu.memory_space<vmem>>
    %dma_wait3A_109 = arith.constant 0 : i32
    %dma_wait3A_110 = arith.constant 0 : i32
    %dma_wait3A_111 = tpu.memref_slice %arg4[%add3A_100, %dma_wait3A_109, %dma_wait3A_110] : memref<4096x50x128xf32, #tpu.memory_space<hbm>> -> memref<1x50x128xf32, #tpu.memory_space<hbm>>
    %dma_wait3A_112 = tpu.memref_squeeze %dma_wait3A_111 : memref<1x50x128xf32, #tpu.memory_space<hbm>> -> memref<50x128xf32, #tpu.memory_space<hbm>>
    %dma_wait3A_113 = tpu.memref_slice %arg8[%dma_wait3A_101] : memref<8x!tpu.dma_semaphore, #tpu.memory_space<semaphore_mem>> -> memref<1x!tpu.dma_semaphore, #tpu.memory_space<semaphore_mem>>
    %dma_wait3A_114 = tpu.memref_squeeze %dma_wait3A_113 : memref<1x!tpu.dma_semaphore, #tpu.memory_space<semaphore_mem>> -> memref<!tpu.dma_semaphore, #tpu.memory_space<semaphore_mem>>
    %dma_wait3A_115 = arith.constant 0 : i32
    %dma_wait3A_116 = arith.constant 0 : i32
    %dma_wait3A_117 = tpu.memref_slice %arg4[%add3A_100, %dma_wait3A_115, %dma_wait3A_116] : memref<4096x50x128xf32, #tpu.memory_space<hbm>> -> memref<1x50x128xf32, #tpu.memory_space<hbm>>
    %dma_wait3A_118 = tpu.memref_squeeze %dma_wait3A_117 : memref<1x50x128xf32, #tpu.memory_space<hbm>> -> memref<50x128xf32, #tpu.memory_space<hbm>>
    %dma_wait3A_119 = arith.constant 0 : i32
    %dma_wait3A_120 = arith.constant 0 : i32
    %dma_wait3A_121 = tpu.memref_slice %arg6[%dma_wait3A, %dma_wait3A_119, %dma_wait3A_120] : memref<8x100x128xf32, #tpu.memory_space<vmem>> -> memref<1x100x128xf32, #tpu.memory_space<vmem>>
    %dma_wait3A_122 = tpu.memref_squeeze %dma_wait3A_121 : memref<1x100x128xf32, #tpu.memory_space<vmem>> -> memref<100x128xf32, #tpu.memory_space<vmem>>
    %dma_wait3A_123 = arith.constant 0 : i32
    %dma_wait3A_124 = arith.constant 0 : i32
    %dma_wait3A_125 = tpu.memref_slice %dma_wait3A_122[%dma_wait3A_123, %dma_wait3A_124] : memref<100x128xf32, #tpu.memory_space<vmem>> -> memref<50x128xf32, #tpu.memory_space<vmem>>
    tpu.wait_dma2 semaphore(%dma_wait3A_114 : memref<!tpu.dma_semaphore, #tpu.memory_space<semaphore_mem>>) src(%dma_wait3A_125 : memref<50x128xf32, #tpu.memory_space<vmem>>) dst(%dma_wait3A_118 : memref<50x128xf32, #tpu.memory_space<hbm>>)
    %add3A_126 = arith.constant 124 : i32
    %add3A_127 = arith.addi %mul3A_2, %add3A_126 : i32
    %add3A_128 = arith.constant 1 : i32
    %add3A_129 = arith.addi %add3A_127, %add3A_128 : i32
    %dma_wait3A_130 = arith.constant 6 : i32
    %dma_wait3A_131 = arith.constant 6 : i32
    %dma_wait3A_132 = arith.constant 0 : i32
    %dma_wait3A_133 = arith.constant 0 : i32
    %dma_wait3A_134 = tpu.memref_slice %arg6[%dma_wait3A_130, %dma_wait3A_132, %dma_wait3A_133] : memref<8x100x128xf32, #tpu.memory_space<vmem>> -> memref<1x100x128xf32, #tpu.memory_space<vmem>>
    %dma_wait3A_135 = tpu.memref_squeeze %dma_wait3A_134 : memref<1x100x128xf32, #tpu.memory_space<vmem>> -> memref<100x128xf32, #tpu.memory_space<vmem>>
    %dma_wait3A_136 = arith.constant 50 : i32
    %dma_wait3A_137 = arith.constant 0 : i32
    %dma_wait3A_138 = tpu.memref_slice %dma_wait3A_135[%dma_wait3A_136, %dma_wait3A_137] : memref<100x128xf32, #tpu.memory_space<vmem>> -> memref<50x128xf32, #tpu.memory_space<vmem>>
    %dma_wait3A_139 = arith.constant 0 : i32
    %dma_wait3A_140 = arith.constant 0 : i32
    %dma_wait3A_141 = tpu.memref_slice %arg4[%add3A_129, %dma_wait3A_139, %dma_wait3A_140] : memref<4096x50x128xf32, #tpu.memory_space<hbm>> -> memref<1x50x128xf32, #tpu.memory_space<hbm>>
    %dma_wait3A_142 = tpu.memref_squeeze %dma_wait3A_141 : memref<1x50x128xf32, #tpu.memory_space<hbm>> -> memref<50x128xf32, #tpu.memory_space<hbm>>
    %dma_wait3A_143 = tpu.memref_slice %arg8[%dma_wait3A_131] : memref<8x!tpu.dma_semaphore, #tpu.memory_space<semaphore_mem>> -> memref<1x!tpu.dma_semaphore, #tpu.memory_space<semaphore_mem>>
    %dma_wait3A_144 = tpu.memref_squeeze %dma_wait3A_143 : memref<1x!tpu.dma_semaphore, #tpu.memory_space<semaphore_mem>> -> memref<!tpu.dma_semaphore, #tpu.memory_space<semaphore_mem>>
    %dma_wait3A_145 = arith.constant 0 : i32
    %dma_wait3A_146 = arith.constant 0 : i32
    %dma_wait3A_147 = tpu.memref_slice %arg4[%add3A_129, %dma_wait3A_145, %dma_wait3A_146] : memref<4096x50x128xf32, #tpu.memory_space<hbm>> -> memref<1x50x128xf32, #tpu.memory_space<hbm>>
    %dma_wait3A_148 = tpu.memref_squeeze %dma_wait3A_147 : memref<1x50x128xf32, #tpu.memory_space<hbm>> -> memref<50x128xf32, #tpu.memory_space<hbm>>
    %dma_wait3A_149 = arith.constant 0 : i32
    %dma_wait3A_150 = arith.constant 0 : i32
    %dma_wait3A_151 = tpu.memref_slice %arg6[%dma_wait3A_130, %dma_wait3A_149, %dma_wait3A_150] : memref<8x100x128xf32, #tpu.memory_space<vmem>> -> memref<1x100x128xf32, #tpu.memory_space<vmem>>
    %dma_wait3A_152 = tpu.memref_squeeze %dma_wait3A_151 : memref<1x100x128xf32, #tpu.memory_space<vmem>> -> memref<100x128xf32, #tpu.memory_space<vmem>>
    %dma_wait3A_153 = arith.constant 50 : i32
    %dma_wait3A_154 = arith.constant 0 : i32
    %dma_wait3A_155 = tpu.memref_slice %dma_wait3A_152[%dma_wait3A_153, %dma_wait3A_154] : memref<100x128xf32, #tpu.memory_space<vmem>> -> memref<50x128xf32, #tpu.memory_space<vmem>>
    tpu.wait_dma2 semaphore(%dma_wait3A_144 : memref<!tpu.dma_semaphore, #tpu.memory_space<semaphore_mem>>) src(%dma_wait3A_155 : memref<50x128xf32, #tpu.memory_space<vmem>>) dst(%dma_wait3A_148 : memref<50x128xf32, #tpu.memory_space<hbm>>)
    %add3A_156 = arith.constant 126 : i32
    %add3A_157 = arith.addi %mul3A_2, %add3A_156 : i32
    %add3A_158 = arith.constant 0 : i32
    %add3A_159 = arith.addi %add3A_157, %add3A_158 : i32
    %dma_wait3A_160 = arith.constant 7 : i32
    %dma_wait3A_161 = arith.constant 7 : i32
    %dma_wait3A_162 = arith.constant 0 : i32
    %dma_wait3A_163 = arith.constant 0 : i32
    %dma_wait3A_164 = tpu.memref_slice %arg6[%dma_wait3A_160, %dma_wait3A_162, %dma_wait3A_163] : memref<8x100x128xf32, #tpu.memory_space<vmem>> -> memref<1x100x128xf32, #tpu.memory_space<vmem>>
    %dma_wait3A_165 = tpu.memref_squeeze %dma_wait3A_164 : memref<1x100x128xf32, #tpu.memory_space<vmem>> -> memref<100x128xf32, #tpu.memory_space<vmem>>
    %dma_wait3A_166 = arith.constant 0 : i32
    %dma_wait3A_167 = arith.constant 0 : i32
    %dma_wait3A_168 = tpu.memref_slice %dma_wait3A_165[%dma_wait3A_166, %dma_wait3A_167] : memref<100x128xf32, #tpu.memory_space<vmem>> -> memref<50x128xf32, #tpu.memory_space<vmem>>
    %dma_wait3A_169 = arith.constant 0 : i32
    %dma_wait3A_170 = arith.constant 0 : i32
    %dma_wait3A_171 = tpu.memref_slice %arg4[%add3A_159, %dma_wait3A_169, %dma_wait3A_170] : memref<4096x50x128xf32, #tpu.memory_space<hbm>> -> memref<1x50x128xf32, #tpu.memory_space<hbm>>
    %dma_wait3A_172 = tpu.memref_squeeze %dma_wait3A_171 : memref<1x50x128xf32, #tpu.memory_space<hbm>> -> memref<50x128xf32, #tpu.memory_space<hbm>>
    %dma_wait3A_173 = tpu.memref_slice %arg8[%dma_wait3A_161] : memref<8x!tpu.dma_semaphore, #tpu.memory_space<semaphore_mem>> -> memref<1x!tpu.dma_semaphore, #tpu.memory_space<semaphore_mem>>
    %dma_wait3A_174 = tpu.memref_squeeze %dma_wait3A_173 : memref<1x!tpu.dma_semaphore, #tpu.memory_space<semaphore_mem>> -> memref<!tpu.dma_semaphore, #tpu.memory_space<semaphore_mem>>
    %dma_wait3A_175 = arith.constant 0 : i32
    %dma_wait3A_176 = arith.constant 0 : i32
    %dma_wait3A_177 = tpu.memref_slice %arg4[%add3A_159, %dma_wait3A_175, %dma_wait3A_176] : memref<4096x50x128xf32, #tpu.memory_space<hbm>> -> memref<1x50x128xf32, #tpu.memory_space<hbm>>
    %dma_wait3A_178 = tpu.memref_squeeze %dma_wait3A_177 : memref<1x50x128xf32, #tpu.memory_space<hbm>> -> memref<50x128xf32, #tpu.memory_space<hbm>>
    %dma_wait3A_179 = arith.constant 0 : i32
    %dma_wait3A_180 = arith.constant 0 : i32
    %dma_wait3A_181 = tpu.memref_slice %arg6[%dma_wait3A_160, %dma_wait3A_179, %dma_wait3A_180] : memref<8x100x128xf32, #tpu.memory_space<vmem>> -> memref<1x100x128xf32, #tpu.memory_space<vmem>>
    %dma_wait3A_182 = tpu.memref_squeeze %dma_wait3A_181 : memref<1x100x128xf32, #tpu.memory_space<vmem>> -> memref<100x128xf32, #tpu.memory_space<vmem>>
    %dma_wait3A_183 = arith.constant 0 : i32
    %dma_wait3A_184 = arith.constant 0 : i32
    %dma_wait3A_185 = tpu.memref_slice %dma_wait3A_182[%dma_wait3A_183, %dma_wait3A_184] : memref<100x128xf32, #tpu.memory_space<vmem>> -> memref<50x128xf32, #tpu.memory_space<vmem>>
    tpu.wait_dma2 semaphore(%dma_wait3A_174 : memref<!tpu.dma_semaphore, #tpu.memory_space<semaphore_mem>>) src(%dma_wait3A_185 : memref<50x128xf32, #tpu.memory_space<vmem>>) dst(%dma_wait3A_178 : memref<50x128xf32, #tpu.memory_space<hbm>>)
    %add3A_186 = arith.constant 126 : i32
    %add3A_187 = arith.addi %mul3A_2, %add3A_186 : i32
    %add3A_188 = arith.constant 1 : i32
    %add3A_189 = arith.addi %add3A_187, %add3A_188 : i32
    %dma_wait3A_190 = arith.constant 7 : i32
    %dma_wait3A_191 = arith.constant 7 : i32
    %dma_wait3A_192 = arith.constant 0 : i32
    %dma_wait3A_193 = arith.constant 0 : i32
    %dma_wait3A_194 = tpu.memref_slice %arg6[%dma_wait3A_190, %dma_wait3A_192, %dma_wait3A_193] : memref<8x100x128xf32, #tpu.memory_space<vmem>> -> memref<1x100x128xf32, #tpu.memory_space<vmem>>
    %dma_wait3A_195 = tpu.memref_squeeze %dma_wait3A_194 : memref<1x100x128xf32, #tpu.memory_space<vmem>> -> memref<100x128xf32, #tpu.memory_space<vmem>>
    %dma_wait3A_196 = arith.constant 50 : i32
    %dma_wait3A_197 = arith.constant 0 : i32
    %dma_wait3A_198 = tpu.memref_slice %dma_wait3A_195[%dma_wait3A_196, %dma_wait3A_197] : memref<100x128xf32, #tpu.memory_space<vmem>> -> memref<50x128xf32, #tpu.memory_space<vmem>>
    %dma_wait3A_199 = arith.constant 0 : i32
    %dma_wait3A_200 = arith.constant 0 : i32
    %dma_wait3A_201 = tpu.memref_slice %arg4[%add3A_189, %dma_wait3A_199, %dma_wait3A_200] : memref<4096x50x128xf32, #tpu.memory_space<hbm>> -> memref<1x50x128xf32, #tpu.memory_space<hbm>>
    %dma_wait3A_202 = tpu.memref_squeeze %dma_wait3A_201 : memref<1x50x128xf32, #tpu.memory_space<hbm>> -> memref<50x128xf32, #tpu.memory_space<hbm>>
    %dma_wait3A_203 = tpu.memref_slice %arg8[%dma_wait3A_191] : memref<8x!tpu.dma_semaphore, #tpu.memory_space<semaphore_mem>> -> memref<1x!tpu.dma_semaphore, #tpu.memory_space<semaphore_mem>>
    %dma_wait3A_204 = tpu.memref_squeeze %dma_wait3A_203 : memref<1x!tpu.dma_semaphore, #tpu.memory_space<semaphore_mem>> -> memref<!tpu.dma_semaphore, #tpu.memory_space<semaphore_mem>>
    %dma_wait3A_205 = arith.constant 0 : i32
    %dma_wait3A_206 = arith.constant 0 : i32
    %dma_wait3A_207 = tpu.memref_slice %arg4[%add3A_189, %dma_wait3A_205, %dma_wait3A_206] : memref<4096x50x128xf32, #tpu.memory_space<hbm>> -> memref<1x50x128xf32, #tpu.memory_space<hbm>>
    %dma_wait3A_208 = tpu.memref_squeeze %dma_wait3A_207 : memref<1x50x128xf32, #tpu.memory_space<hbm>> -> memref<50x128xf32, #tpu.memory_space<hbm>>
    %dma_wait3A_209 = arith.constant 0 : i32
    %dma_wait3A_210 = arith.constant 0 : i32
    %dma_wait3A_211 = tpu.memref_slice %arg6[%dma_wait3A_190, %dma_wait3A_209, %dma_wait3A_210] : memref<8x100x128xf32, #tpu.memory_space<vmem>> -> memref<1x100x128xf32, #tpu.memory_space<vmem>>
    %dma_wait3A_212 = tpu.memref_squeeze %dma_wait3A_211 : memref<1x100x128xf32, #tpu.memory_space<vmem>> -> memref<100x128xf32, #tpu.memory_space<vmem>>
    %dma_wait3A_213 = arith.constant 50 : i32
    %dma_wait3A_214 = arith.constant 0 : i32
    %dma_wait3A_215 = tpu.memref_slice %dma_wait3A_212[%dma_wait3A_213, %dma_wait3A_214] : memref<100x128xf32, #tpu.memory_space<vmem>> -> memref<50x128xf32, #tpu.memory_space<vmem>>
    tpu.wait_dma2 semaphore(%dma_wait3A_204 : memref<!tpu.dma_semaphore, #tpu.memory_space<semaphore_mem>>) src(%dma_wait3A_215 : memref<50x128xf32, #tpu.memory_space<vmem>>) dst(%dma_wait3A_208 : memref<50x128xf32, #tpu.memory_space<hbm>>)
    return
  }
}

</mosaic_0001>

<sc_bundles>
// kernel: _embedding_lookup.3.cloned.1.call-start
scs
__scs_entry_jumppad:
0x0: {  	(pc) =	sbr.rel $0x88, $3  }
0x1: {  	(tag) =	ssettag $0x0;
	lr =	simm.s32 $0x1  }
0x2: {  	[smem:$0x3F9F] =	sst lr;
	_ =	strace $0xD0000000  }
0x3: {  	_ = 	snop  }
0x4: {  	_ = 	snop  }
0x5: {  	_ = 	snop  }
0x6: {  	_ = 	snop  }
0x7: {  	_ = 	snop  }
__scs_overlays_trampoline_lowered:
0x8: {  	[smem:$0x3FAE] =	sst s0  }
0x9: {  	[smem:$0x3FAF] =	sst s1  }
0xa: {  	[smem:$0x3FB0] =	sst s2  }
0xb: {  	[smem:$0x3FB1] =	sst s3  }
0xc: {  	[smem:$0x3FB2] =	sst s4  }
0xd: {  	[smem:$0x3FB3] =	sst s5  }
0xe: {  	[smem:$0x3FB4] =	sst s6  }
0xf: {  	[smem:$0x3FB5] =	sst s7  }
0x10: {  	[smem:$0x3FB6] =	sst s8  }
0x11: {  	[smem:$0x3FB7] =	sst s9;
	s0 =	simm.s32 @!p0 $0x0  }
0x12: {  	s1 =	sld [smem:$0x3F9D];
	s0 =	simm.s32 @p0 $0x1  }
0x13: {  	[smem:$0x3FB8] =	sst s0;
	s0 =	simm.s32 @!p1 $0x0  }
0x14: {  	s2 =	sld [smem:$0x3F9C];
	s0 =	simm.s32 @p1 $0x1  }
0x15: {  	[smem:$0x3FB9] =	sst s0;
	s0 =	simm.s32 @!p2 $0x0  }
0x16: {  	s3 =	sld [smem:$0x3FDB];
	s0 =	simm.s32 @p2 $0x1  }
0x17: {  	s4 =	simm.s32 $0x1BF5;
	[smem:$0x3FBB] =	sst s0  }
0x18: {  	s0 =	sld [smem:$0x3F9E];
	_ =	swait.ge [sflag:s4], $0x0  }
0x19: {  	s7 =	sld [smem:$0x3F9F]  }
0x1a: {  	s8 =	sadd.s32 $0xFFFFE003, lr  }
0x1b: {  	s9 =	sadd.s32 $0xFFFFFEF7, lr;
	s5 =	simm.s32 $0xFFFFFFFF;
	p2 =	slt.u32 s8, $0xFFFFF086  }
0x1c: {  	p1 =	slt.u32 s9, $0xF7A;
	s5 =	simm.s32 @!p2 $0x0  }
0x1d: {  	s5 =	simm.s32 @p1 $0x1;
	p0 =	seq.s32 s7, s2  }
0x1e: {  	s7 =	smul.u32 @!p0 $0xF7A, s2;
	p2 =	seq.s32 @!p0 s5, $0x0  }
0x1f: {  	s9 =	smul.u32 $0xF7A, s1;
	s8 =	simm.s32 @!p0 $0x1BF5;
	p2 =	por !p2, p0  }
0x20: {  	[sflag:s8] =	ssyncset.s32 @!p0 $0xFFFFF086;
	s6 =	sadd.s32 @!p0 s3, s7;
	s7 =	simm.s32 @!p0 $0x108  }
0x21: {  	s3 =	sadd.s32 s3, s9;
	s6 =	sadd.s32 @!p0 $0x88, s6;
	s7 =	simm.s32 @p2 $0x1082  }
0x22: {  	[simem:s7], [sflag:s8] =	dma.local @!p0 [hbm:s6], $0xF7A  }
0x23: {  	s9 =	sor.u32 $0xD0000000, s2;
	s6 =	simm.s32 $0x108;
	_ =	swait.ge @!p0 [sflag:s8], $0x0  }
0x24: {  	s3 =	sadd.s32 $0x88, s3;
	s6 =	simm.s32 @!p1 $0x1082;
	[sflag:s4] =	ssyncset.s32 $0xFFFFF086  }
0x25: {  	[simem:s6], [sflag:s4] =	dma.local [hbm:s3], $0xF7A  }
0x26: {  	[smem:$0x3F9F] =	sst s1;
	(tag) =	ssettag s2;
	_ =	strace s9  }
0x27: {  	s1 =	sld [smem:$0x3FAF]  }
0x28: {  	s2 =	sld [smem:$0x3FB0]  }
0x29: {  	s4 =	sld [smem:$0x3FB2]  }
0x2a: {  	p0 =	seq.s32 s5, $0x0;
	s5 =	sld [smem:$0x3FB3]  }
0x2b: {  	s6 =	sld [smem:$0x3FB4]  }
0x2c: {  	s7 =	sld [smem:$0x3FB5]  }
0x2d: {  	s3 =	simm.s32 $0x108;
	s8 =	sld [smem:$0x3FB6]  }
0x2e: {  	s3 =	simm.s32 @!p0 $0x1082;
	s9 =	sld [smem:$0x3FB7]  }
0x2f: {  	lr =	sadd.s32 s0, s3;
	s0 =	sld [smem:$0x3FAE]  }
0x30: {  	s3 =	sld [smem:$0x3FB1]  }
0x31: {  	[smem:$0x3FBA] =	sst s10  }
0x32: {  	s10 =	sld [smem:$0x3FB8];
	_ =	sdelay $0x3  }
0x33: {  	p0 =	seq.s32 s10, $0x1;
	s10 =	sld [smem:$0x3FBA];
	_ =	sdelay $0x3  }
0x34: {  	[smem:$0x3FBA] =	sst s10  }
0x35: {  	s10 =	sld [smem:$0x3FB9];
	_ =	sdelay $0x3  }
0x36: {  	p1 =	seq.s32 s10, $0x1;
	s10 =	sld [smem:$0x3FBA];
	_ =	sdelay $0x3  }
0x37: {  	[smem:$0x3FBA] =	sst s10  }
0x38: {  	s10 =	sld [smem:$0x3FBB]  }
0x39: {  	_ = 	snop;
	(pc) =	sbr.ind lr, $3  }
0x3a: {  	_ = 	snop  }
0x3b: {  	_ = 	snop  }
0x3c: {  	p2 =	seq.s32 s10, $0x1;
	s10 =	sld [smem:$0x3FBA]  }
0x3d: {  	_ =	shalt  }
0x3e: {  	_ =	shalt  }
0x3f: {  	_ =	shalt  }
0x40: {  	_ =	shalt  }
0x41: {  	_ =	shalt  }
0x42: {  	_ =	shalt  }
0x43: {  	_ =	shalt  }
0x44: {  	_ =	shalt  }
0x45: {  	_ =	shalt  }
0x46: {  	_ =	shalt  }
0x47: {  	_ =	shalt  }
0x48: {  	_ =	shalt  }
0x49: {  	_ =	shalt  }
0x4a: {  	_ =	shalt  }
0x4b: {  	_ =	shalt  }
0x4c: {  	_ =	shalt  }
0x4d: {  	_ =	shalt  }
0x4e: {  	_ =	shalt  }
0x4f: {  	_ =	shalt  }
0x50: {  	_ =	shalt  }
0x51: {  	_ =	shalt  }
0x52: {  	_ =	shalt  }
0x53: {  	_ =	shalt  }
0x54: {  	_ =	shalt  }
0x55: {  	_ =	shalt  }
0x56: {  	_ =	shalt  }
0x57: {  	_ =	shalt  }
0x58: {  	_ =	shalt  }
0x59: {  	_ =	shalt  }
0x5a: {  	_ =	shalt  }
0x5b: {  	_ =	shalt  }
0x5c: {  	_ =	shalt  }
0x5d: {  	_ =	shalt  }
0x5e: {  	_ =	shalt  }
0x5f: {  	_ =	shalt  }
0x60: {  	_ =	shalt  }
0x61: {  	_ =	shalt  }
0x62: {  	_ =	shalt  }
0x63: {  	_ =	shalt  }
0x64: {  	_ =	shalt  }
0x65: {  	_ =	shalt  }
0x66: {  	_ =	shalt  }
0x67: {  	_ =	shalt  }
0x68: {  	_ =	shalt  }
0x69: {  	_ =	shalt  }
0x6a: {  	_ =	shalt  }
0x6b: {  	_ =	shalt  }
0x6c: {  	_ =	shalt  }
0x6d: {  	_ =	shalt  }
0x6e: {  	_ =	shalt  }
0x6f: {  	_ =	shalt  }
0x70: {  	_ =	shalt  }
0x71: {  	_ =	shalt  }
0x72: {  	_ =	shalt  }
0x73: {  	_ =	shalt  }
0x74: {  	_ =	shalt  }
0x75: {  	_ =	shalt  }
0x76: {  	_ =	shalt  }
0x77: {  	_ =	shalt  }
0x78: {  	_ =	shalt  }
0x79: {  	_ =	shalt  }
0x7a: {  	_ =	shalt  }
0x7b: {  	_ =	shalt  }
0x7c: {  	_ =	shalt  }
0x7d: {  	_ =	shalt  }
0x7e: {  	_ =	shalt  }
0x7f: {  	_ =	shalt  }
0x80: {  	_ =	shalt  }
0x81: {  	_ =	shalt  }
0x82: {  	_ =	shalt  }
0x83: {  	_ =	shalt  }
0x84: {  	_ =	shalt  }
0x85: {  	_ =	shalt  }
0x86: {  	_ =	shalt  }
0x87: {  	_ =	shalt  }
.Lfunc_end0:
.L_simem_size_0:
called_computation_lowered:
.L_overlay_start_0:
0x88: {  	s2 =	sld [smem:$0x3FD9]  }
0x89: {  	s3 =	sld [smem:$0x3FFE];
	_ =	sdelay $0x1  }
0x8a: {  	s1 =	srdreg.scid  }
0x8b: {  	s0 =	sand.u32 $0x1, s1  }
0x8c: {  	s17 =	sshll.u32 s0, $0xA;
	s2 =	sadd.s32 s3, s2  }
0x8d: {  	s2 =	sadd.s32 s2, s17  }
0x8e: {  	[smem:$0x3FC6] =	sst s2  }
0x8f: {  	_ = 	snop  }
0x90: {  	s2 =	sld [smem:$0x3FC9]  }
0x91: {  	s18 =	sld [smem:$0x3FC8];
	(tm) =	ssettm $0x1  }
0x92: {  	s4 =	sld [smem:$0x3FFB];
	_ =	sdelay $0x3  }
0x93: {  	_ =	strace s4  }
0x94: {  	s4 =	sld [smem:$0x3FFC];
	_ =	sdelay $0x3  }
0x95: {  	_ =	strace s4  }
0x96: {  	s4 =	sld [smem:$0x3FFD];
	_ =	sdelay $0x3  }
0x97: {  	_ =	strace s4  }
0x98: {  	_ =	strace $0x8FFFFFFF  }
0x99: {  	s19 =	sld [smem:$0x3FDB];
	_ =	sdelay $0x1  }
0x9a: {  	s5 =	simm.s32 $_scs_section_size  }
0x9b: {  	s6 =	simm.s32 $_size__tile_overlayer_lowered;
	s7 =	simm.s32 $_tile_overlayer_lowered  }
0x9c: {  	s22 =	simm.s32 $0x1BFF;
	s21 =	sshll.u32 s7, $0x1;
	s4 =	sadd.s32 s5, s19  }
0x9d: {  	s8 =	simm.s32 $0x0;
	s20 =	sshll.u32 s6, $0x1;
	s6 =	sadd.s32 s21, s4  }
0x9e: {  	[timem:s8], [sflag:s22] =	dma.local [hbm:s6], s20  }
0x9f: {  	_ =	swait.ge [sflag:s22], s20  }
0xa0: {  	s5 =	ssub.s32 $0x0, s20;
	[sflag:s22] =	ssyncset.done $0x0  }
0xa1: {  	[sflag:s22] =	ssyncadd.s32 s5;
	_ =	sdelay $0x1  }
0xa2: {  	s23 =	simm.s32 $0x1B8B  }
0xa3: {  	_ =	swait.ge [sflag:s23], $0x1  }
0xa4: {  	[sflag:s23] =	ssyncset.done $0x0  }
0xa5: {  	s25 =	simm.s32 $0x1B8E;
	s24 =	sld [smem:$0x3FFE];
	[sflag:s23] =	ssyncadd.s32 $0xFFFFFFFF  }
0xa6: {  	s26 =	simm.s32 $execute0_lowered;
	[smem:$0x3FD2] =	sst s25  }
0xa7: {  	s6 =	sshll.u32 s26, $0x1;
	_ =	strace $0x80000046;
	[dreg:$0x1] =	wrdreg $0xFFFFFFFF  }
0xa8: {  	s28 =	simm.s32 $_size_execute0_lowered;
	s4 =	sadd.s32 s4, s6;
	[dreg:$0x0] =	wrdreg $0x0  }
0xa9: {  	s6 =	sshll.u32 s28, $0x1;
	[dreg:$0x2] =	wrdreg s4  }
0xaa: {  	[dreg:$0x3] =	wrdreg s6  }
0xab: {  	[dreg:$0x4] =	wrdreg $0xC0  }
0xac: {  	_ =	task [dreg:s8], $0x5FFFF  }
0xad: {  	[dreg:$0x1] =	wrdreg $0xFFFFFFFF  }
0xae: {  	[dreg:$0x0] =	wrdreg $0x60  }
0xaf: {  	[dreg:$0x2] =	wrdreg s2  }
0xb0: {  	[dreg:$0x3] =	wrdreg s18  }
0xb1: {  	[dreg:$0x4] =	wrdreg s24  }
0xb2: {  	[dreg:$0x5] =	wrdreg $0x9  }
0xb3: {  	_ =	task.clear_ibuf [dreg:s8], $0x6FFFF;
	_ =	strace $0x90000046  }
0xb4: {  	s29 =	simm.s32 $0x9;
	_ =	strace $0x80000048  }
0xb5: {  	_ =	swait.ge [sflag:s29], $0x1  }
0xb6: {  	[sflag:s29] =	ssyncadd.s32 $0xFFFFFFFF  }
0xb7: {  	_ =	strace $0x90000048  }
0xb8: {  	_ =	sfence  }
0xb9: {  	s30 =	sld [smem:$0x0];
	_ =	sdelay $0x2  }
0xba: {  	s31 =	sshll.u32 s1, $0xD;
	s1 =	sshrl.u32 s1, $0x2  }
0xbb: {  	s3 =	sand.u32 $0x4000, s31;
	s1 =	sadd.s32 s1, s30  }
0xbc: {  	s0 =	sor.u32 s3, s0;
	s1 =	sshll.u32 s1, $0x11  }
0xbd: {  	s0 =	sor.u32 s1, s0  }
0xbe: {  	s0 =	sadd.s32 $0x8F2B, s0  }
0xbf: {  	[sflag:s0] =	ssyncadd.remote.s32 $0x1  }
0xc0: {  	_ =	sfence.sel $0xFFFF  }
0xc1: {  	[dreg:$0x0] =	wrdreg $0xFFFFFFFF;
	(pc) =	sbr.abs _section_cstart, $3  }
0xc2: {  	[dreg:$0x1] =	wrdreg $0xFFFFFFFF  }
0xc3: {  	_ =	task.clear_ibuf [dreg:s8], $0x2FFFF;
	_ =	strace $0x9FFFFFFF  }
0xc4: {  	(tm) =	ssettm $0x7FFFFFFF  }
0xc5: {  	_ =	shalt  }
tec
execute0_lowered:
.L_overlay_start_1:
0x0: {  	(tag) =	ssettag $0x1  }
0x1: {  	s0 =	rddreg [dreg:$0x0]  }
0x2: {  	s2 =	rddreg [dreg:$0x1]  }
0x3: {  	s1 =	rddreg [dreg:$0x2];
	s4 =	srdreg.scid  }
0x4: {  	s11 =	stileid.u32;
	s3 =	simm.s32 $0x0;
	s29 =	simm.s32 $0x15800  }
0x5: {  	s30 =	simm.s32 $0x2;
	s28 =	simm.s32 $0x7;
	s31 =	simm.s32 $0x8  }
0x6: {  	s4 =	sand.u32 $0x1, s4;
	s5 =	smul.u32 $0x1C0000, s11;
	[smem:$0x7FF] =	sst s3  }
0x7: {  	s1 =	sadd.s32 $0x400, s1;
	s9 =	sshll.u32 s11, $0xB;
	s16 =	smul.u32 $0x38000, s11  }
0x8: {  	s6 =	ssub.s32 $0x2, s4;
	s7 =	smul.u32 $0xE0000, s4;
	_ =	strace $0x80000047  }
0x9: {  	s10 =	sshll.u32 s4, $0xA;
	s17 =	smul.u32 $0x1C000, s4;
	s4 =	simm.s32 $0x5  }
0xa: {  	s8 =	sshrl.u32 s6, $0x1;
	s13 =	sor.u32 s10, s9;
	s18 =	sadd.s32 s16, s1  }
0xb: {  	s5 =	sadd.s32 s7, s5;
	s6 =	ssub.s32 s6, s8;
	s0 =	sadd.s32 s0, s13  }
0xc: {  	s13 =	simm.s32 $0xB;
	s7 =	simm.s32 $0x0;
	s14 =	sor.u32 $0x13400, s5  }
0xd: {  	[dreg:$0x4] =	wrdreg s0;
	s6 =	smax.u32 s6, $0x1;
	s19 =	sor.u32 $0xC400, s5  }
0xe: {  	s20 =	sor.u32 $0x8C00, s5;
	s23 =	sor.u32 $0x5400, s5;
	s24 =	sor.u32 $0x1A400, s5  }
0xf: {  	s5 =	sor.u32 $0x16C00, s5;
	s15 =	sshrl.u32 s14, $0x3;
	[dreg:$0x5] =	wrdreg s6  }
0x10: {  	s21 =	sshrl.u32 s19, $0x3;
	s22 =	sshrl.u32 s20, $0x3;
	s25 =	sshrl.u32 s24, $0x3  }
0x11: {  	s26 =	sshrl.u32 s5, $0x3;
	s14 =	simm.s32 $0x64;
	s20 =	simm.s32 $0x4  }
0x12: {  	s24 =	simm.s32 $0xA;
	s19 =	simm.s32 $0xC;
	s0 =	sadd.s32 s15, s1  }
0x13: {  	s8 =	sadd.s32 s21, s1;
	s9 =	sadd.s32 s22, s1;
	s11 =	sadd.s32 s25, s1  }
.Ltmp0:
0x14: {  	s12 =	sadd.s32 s26, s1;
	s25 =	simm.s32 $0x12400;
	(pc) =	sbr.rel .LBB2_1-.Ltmp0, $4  }
0x15: {  	s26 =	simm.s32 $0x1;
	s15 =	simm.s32 $0x6;
	s22 =	simm.s32 $0xE  }
0x16: {  	[dreg:$0x6] =	wrdreg s0;
	s0 =	sadd.s32 s17, s18;
	s18 =	simm.s32 $0x9  }
0x17: {  	[dreg:$0x7] =	wrdreg s0;
	s0 =	sshrl.u32 s23, $0x3;
	s23 =	simm.s32 $0xD  }
0x18: {  	s10 =	sadd.s32 s0, s1;
	s0 =	simm.s32 $0x18C00;
	s1 =	simm.s32 $0x3  }
.LBB2_4:
0x19: {  	s5 =	simm.s32 $0xF  }
0x1a: {  	_ =	swait.ge [sflag:s5], $0x1900  }
0x1b: {  	[sflag:s5] =	ssyncset.done $0x0  }
0x1c: {  	[sflag:s5] =	ssyncadd.s32 $0xFFFFE700  }
0x1d: {  	_ =	swait.ge [sflag:s5], $0x1900  }
0x1e: {  	[sflag:s5] =	ssyncset.done $0x0  }
0x1f: {  	s6 =	simm.s32 $0x10;
	[sflag:s5] =	ssyncadd.s32 $0xFFFFE700  }
0x20: {  	_ =	swait.ge [sflag:s6], $0x1900  }
0x21: {  	[sflag:s6] =	ssyncset.done $0x0  }
0x22: {  	[sflag:s6] =	ssyncadd.s32 $0xFFFFE700  }
0x23: {  	_ =	swait.ge [sflag:s6], $0x1900  }
0x24: {  	s7 =	rddreg [dreg:$0x8]  }
0x25: {  	s21 =	rddreg [dreg:$0x5];
	s7 =	sadd.s32 $0x1, s7  }
0x26: {  	p0 =	sne.s32 s7, s21  }
.Ltmp1:
0x27: {  	_ = 	snop;
	(pc) =	sbr.rel @!p0 .LBB2_5-.Ltmp1, $3  }
0x28: {  	_ =	sdelay $0x1  }
0x29: {  	[sflag:s6] =	ssyncset.done $0x0  }
0x2a: {  	[sflag:s6] =	ssyncadd.s32 $0xFFFFE700  }
.LBB2_1:
0x2b: {  	[dreg:$0x8] =	wrdreg s7  }
0x2c: {  	s5 =	rddreg [dreg:$0x4];
	s6 =	simm.s32 $0x11  }
0x2d: {  	[tilespmem:s3], [sflag:$0x11] =	stream.linear.gather [hbm4b:s5+s3], $0x2000, $0x38;
	[tilespmem:$0x1C000] =	vst v63  }
0x2e: {  	_ =	swait.ge [sflag:s6], $0x2000  }
0x2f: {  	[sflag:s6] =	ssyncset.done $0x0  }
0x30: {  	s7 =	simm.s32 $0x2000;
	[sflag:s6] =	ssyncadd.s32 $0xFFFFE000  }
0x31: {  	[tilespmem:s7], [sflag:$0x1] =	stream.indirect.gather [hbm4b:s2+s14], $0x80, s3, s14, $0xb8;
	[tilespmem:$0x1C000] =	vst v63  }
0x32: {  	s16 =	simm.s32 $0x80;
	s6 =	simm.s32 $0x5400  }
0x33: {  	[tilespmem:s6], [sflag:$0x2] =	stream.indirect.gather [hbm4b:s2+s14], $0x80, s16, s14, $0xb8;
	[tilespmem:$0x1C000] =	vst v63  }
0x34: {  	s17 =	simm.s32 $0x100;
	s21 =	simm.s32 $0x8800  }
0x35: {  	[tilespmem:s21], [sflag:$0x3] =	stream.indirect.gather [hbm4b:s2+s14], $0x80, s17, s14, $0xb8;
	[tilespmem:$0x1C000] =	vst v63  }
0x36: {  	s7 =	simm.s32 $0xBC00;
	s6 =	simm.s32 $0x180  }
0x37: {  	[tilespmem:s7], [sflag:$0x4] =	stream.indirect.gather [hbm4b:s2+s14], $0x80, s6, s14, $0xb8;
	[tilespmem:$0x1C000] =	vst v63  }
0x38: {  	s16 =	simm.s32 $0x200;
	s17 =	simm.s32 $0xF000  }
0x39: {  	[tilespmem:s17], [sflag:$0x5] =	stream.indirect.gather [hbm4b:s2+s14], $0x80, s16, s14, $0xb8;
	[tilespmem:$0x1C000] =	vst v63  }
0x3a: {  	s5 =	simm.s32 $0x680;
	s21 =	simm.s32 $0x280;
	s17 =	simm.s32 $0x0  }
0x3b: {  	[tilespmem:s25], [sflag:$0x6] =	stream.indirect.gather [hbm4b:s2+s14], $0x80, s21, s14, $0xb8;
	[tilespmem:$0x1C000] =	vst v63  }
.LBB2_2:
0x3c: {  	_ =	swait.ge [sflag:s26], $0x3200  }
0x3d: {  	[sflag:s26] =	ssyncset.done $0x0;
	s6 =	rddreg [dreg:$0x7]  }
0x3e: {  	s16 =	simm.s32 $0x2000;
	[sflag:s26] =	ssyncadd.s32 $0xFFFFCE00;
	s21 =	sadd.s32 s17, s6  }
0x3f: {  	[hbm4b:s21+s3] =	stream.linear.scatter [tilespmem:s16], [sflag:$0x9], $0x1900, $0x38;
	[tilespmem:$0x1C000] =	vst v63  }
0x40: {  	s7 =	simm.s32 $0x3900;
	p0 =	seq.s32 s17, $0x0;
	s16 =	sadd.s32 $0x380, s21  }
0x41: {  	[hbm4b:s16+s3] =	stream.linear.scatter [tilespmem:s7], [sflag:$0x9], $0x1900, $0x38;
	[tilespmem:$0x1C000] =	vst v63  }
0x42: {  	s16 =	simm.s32 @!p0 $0xF  }
0x43: {  	_ =	swait.ge @!p0 [sflag:s16], $0x1900  }
0x44: {  	[sflag:s16] =	ssyncset.done @!p0 $0x0  }
0x45: {  	[sflag:s16] =	ssyncadd.s32 @!p0 $0xFFFFE700  }
0x46: {  	_ =	swait.ge @!p0 [sflag:s16], $0x1900  }
0x47: {  	[sflag:s16] =	ssyncset.done @!p0 $0x0  }
0x48: {  	s7 =	sadd.s32 $0xFFFFFC80, s5;
	[sflag:s16] =	ssyncadd.s32 @!p0 $0xFFFFE700  }
0x49: {  	[tilespmem:s29], [sflag:$0x7] =	stream.indirect.gather [hbm4b:s2+s14], $0x80, s7, s14, $0xb8;
	[tilespmem:$0x1C000] =	vst v63  }
0x4a: {  	_ =	swait.ge [sflag:s30], $0x3200  }
0x4b: {  	[sflag:s30] =	ssyncset.done $0x0  }
0x4c: {  	s6 =	sadd.s32 $0x700, s21;
	s7 =	simm.s32 $0x5400;
	[sflag:s30] =	ssyncadd.s32 $0xFFFFCE00  }
0x4d: {  	[hbm4b:s6+s3] =	stream.linear.scatter [tilespmem:s7], [sflag:$0xA], $0x1900, $0x38;
	[tilespmem:$0x1C000] =	vst v63  }
0x4e: {  	s16 =	simm.s32 @!p0 $0x10;
	s6 =	sadd.s32 s17, s10;
	s7 =	simm.s32 $0x6D00  }
0x4f: {  	[hbm4b:s6+s3] =	stream.linear.scatter [tilespmem:s7], [sflag:$0xA], $0x1900, $0x38;
	[tilespmem:$0x1C000] =	vst v63  }
0x50: {  	_ =	swait.ge @!p0 [sflag:s16], $0x1900  }
0x51: {  	[sflag:s16] =	ssyncset.done @!p0 $0x0  }
0x52: {  	[sflag:s16] =	ssyncadd.s32 @!p0 $0xFFFFE700  }
0x53: {  	_ =	swait.ge @!p0 [sflag:s16], $0x1900  }
0x54: {  	[sflag:s16] =	ssyncset.done @!p0 $0x0  }
0x55: {  	s7 =	sadd.s32 $0xFFFFFD00, s5;
	[sflag:s16] =	ssyncadd.s32 @!p0 $0xFFFFE700  }
0x56: {  	[tilespmem:s0], [sflag:$0x8] =	stream.indirect.gather [hbm4b:s2+s14], $0x80, s7, s14, $0xb8;
	[tilespmem:$0x1C000] =	vst v63  }
0x57: {  	_ =	swait.ge [sflag:s1], $0x3200  }
0x58: {  	[sflag:s1] =	ssyncset.done $0x0  }
0x59: {  	s6 =	sadd.s32 $0xE00, s21;
	s7 =	simm.s32 $0x8800;
	[sflag:s1] =	ssyncadd.s32 $0xFFFFCE00  }
0x5a: {  	[hbm4b:s6+s3] =	stream.linear.scatter [tilespmem:s7], [sflag:$0xB], $0x1900, $0x38;
	[tilespmem:$0x1C000] =	vst v63  }
0x5b: {  	s6 =	sadd.s32 s17, s9;
	s7 =	simm.s32 $0xA100  }
0x5c: {  	[hbm4b:s6+s3] =	stream.linear.scatter [tilespmem:s7], [sflag:$0xB], $0x1900, $0x38;
	[tilespmem:$0x1C000] =	vst v63  }
0x5d: {  	_ =	swait.ge [sflag:s18], $0x1900  }
0x5e: {  	[sflag:s18] =	ssyncset.done $0x0  }
0x5f: {  	[sflag:s18] =	ssyncadd.s32 $0xFFFFE700  }
0x60: {  	p0 =	seq.s32 s17, $0x18800;
	_ =	swait.ge [sflag:s18], $0x1900  }
0x61: {  	s16 =	simm.s32 @!p0 $0x64;
	[sflag:s18] =	ssyncset.done $0x0  }
0x62: {  	s6 =	sadd.s32 @!p0 $0xFFFFFD80, s5;
	s7 =	simm.s32 @!p0 $0x2000;
	[sflag:s18] =	ssyncadd.s32 $0xFFFFE700  }
0x63: {  	[tilespmem:s7], [sflag:$0x1] =	stream.indirect.gather @!p0 [hbm4b:s2+s16], $0x80, s6, s16, $0xb8;
	[tilespmem:$0x1C000] =	vst v63  }
0x64: {  	_ =	swait.ge [sflag:s20], $0x3200  }
0x65: {  	[sflag:s20] =	ssyncset.done $0x0  }
0x66: {  	s6 =	sadd.s32 $0x1500, s21;
	s7 =	simm.s32 $0xBC00;
	[sflag:s20] =	ssyncadd.s32 $0xFFFFCE00  }
0x67: {  	[hbm4b:s6+s3] =	stream.linear.scatter [tilespmem:s7], [sflag:$0xC], $0x1900, $0x38;
	[tilespmem:$0x1C000] =	vst v63  }
0x68: {  	s6 =	sadd.s32 s17, s8;
	s7 =	simm.s32 $0xD500  }
0x69: {  	[hbm4b:s6+s3] =	stream.linear.scatter [tilespmem:s7], [sflag:$0xC], $0x1900, $0x38;
	[tilespmem:$0x1C000] =	vst v63  }
0x6a: {  	_ =	swait.ge [sflag:s24], $0x1900  }
0x6b: {  	[sflag:s24] =	ssyncset.done $0x0  }
0x6c: {  	[sflag:s24] =	ssyncadd.s32 $0xFFFFE700  }
0x6d: {  	_ =	swait.ge [sflag:s24], $0x1900  }
0x6e: {  	[sflag:s24] =	ssyncset.done $0x0  }
0x6f: {  	s6 =	sadd.s32 @!p0 $0xFFFFFE00, s5;
	s7 =	simm.s32 @!p0 $0x5400;
	[sflag:s24] =	ssyncadd.s32 $0xFFFFE700  }
0x70: {  	[tilespmem:s7], [sflag:$0x2] =	stream.indirect.gather @!p0 [hbm4b:s2+s16], $0x80, s6, s16, $0xb8;
	[tilespmem:$0x1C000] =	vst v63  }
0x71: {  	_ =	swait.ge [sflag:s4], $0x3200  }
0x72: {  	[sflag:s4] =	ssyncset.done $0x0  }
0x73: {  	s6 =	sadd.s32 $0x1C00, s21;
	s7 =	simm.s32 $0xF000;
	[sflag:s4] =	ssyncadd.s32 $0xFFFFCE00  }
0x74: {  	[hbm4b:s6+s3] =	stream.linear.scatter [tilespmem:s7], [sflag:$0xD], $0x1900, $0x38;
	[tilespmem:$0x1C000] =	vst v63  }
0x75: {  	s6 =	sadd.s32 $0x1F80, s21;
	s7 =	simm.s32 $0x10900  }
0x76: {  	[hbm4b:s6+s3] =	stream.linear.scatter [tilespmem:s7], [sflag:$0xD], $0x1900, $0x38;
	[tilespmem:$0x1C000] =	vst v63  }
0x77: {  	_ =	swait.ge [sflag:s13], $0x1900  }
0x78: {  	[sflag:s13] =	ssyncset.done $0x0  }
0x79: {  	[sflag:s13] =	ssyncadd.s32 $0xFFFFE700  }
0x7a: {  	_ =	swait.ge [sflag:s13], $0x1900  }
0x7b: {  	[sflag:s13] =	ssyncset.done $0x0  }
0x7c: {  	s6 =	sadd.s32 @!p0 $0xFFFFFE80, s5;
	s7 =	simm.s32 @!p0 $0x8800;
	[sflag:s13] =	ssyncadd.s32 $0xFFFFE700  }
0x7d: {  	[tilespmem:s7], [sflag:$0x3] =	stream.indirect.gather @!p0 [hbm4b:s2+s16], $0x80, s6, s16, $0xb8;
	[tilespmem:$0x1C000] =	vst v63  }
0x7e: {  	_ =	swait.ge [sflag:s15], $0x3200  }
0x7f: {  	[sflag:s15] =	ssyncset.done $0x0  }
0x80: {  	s7 =	sadd.s32 $0x2300, s21;
	[sflag:s15] =	ssyncadd.s32 $0xFFFFCE00  }
0x81: {  	[hbm4b:s7+s3] =	stream.linear.scatter [tilespmem:s25], [sflag:$0xE], $0x1900, $0x38;
	[tilespmem:$0x1C000] =	vst v63  }
0x82: {  	s7 =	rddreg [dreg:$0x6]  }
0x83: {  	s6 =	sadd.s32 s17, s7;
	s7 =	simm.s32 $0x13D00  }
0x84: {  	[hbm4b:s6+s3] =	stream.linear.scatter [tilespmem:s7], [sflag:$0xE], $0x1900, $0x38;
	[tilespmem:$0x1C000] =	vst v63  }
0x85: {  	_ =	swait.ge [sflag:s19], $0x1900  }
0x86: {  	[sflag:s19] =	ssyncset.done $0x0  }
0x87: {  	[sflag:s19] =	ssyncadd.s32 $0xFFFFE700  }
0x88: {  	_ =	swait.ge [sflag:s19], $0x1900  }
0x89: {  	[sflag:s19] =	ssyncset.done $0x0  }
0x8a: {  	s6 =	sadd.s32 @!p0 $0xFFFFFF00, s5;
	s7 =	simm.s32 @!p0 $0xBC00;
	[sflag:s19] =	ssyncadd.s32 $0xFFFFE700  }
0x8b: {  	[tilespmem:s7], [sflag:$0x4] =	stream.indirect.gather @!p0 [hbm4b:s2+s16], $0x80, s6, s16, $0xb8;
	[tilespmem:$0x1C000] =	vst v63  }
0x8c: {  	_ =	swait.ge [sflag:s28], $0x3200  }
0x8d: {  	[sflag:s28] =	ssyncset.done $0x0  }
0x8e: {  	s7 =	sadd.s32 $0x2A00, s21;
	[sflag:s28] =	ssyncadd.s32 $0xFFFFCE00  }
0x8f: {  	[hbm4b:s7+s3] =	stream.linear.scatter [tilespmem:s29], [sflag:$0xF], $0x1900, $0x38;
	[tilespmem:$0x1C000] =	vst v63  }
0x90: {  	s6 =	sadd.s32 s17, s12;
	s7 =	simm.s32 $0x17100  }
0x91: {  	[hbm4b:s6+s3] =	stream.linear.scatter [tilespmem:s7], [sflag:$0xF], $0x1900, $0x38;
	[tilespmem:$0x1C000] =	vst v63  }
0x92: {  	_ =	swait.ge [sflag:s23], $0x1900  }
0x93: {  	[sflag:s23] =	ssyncset.done $0x0  }
0x94: {  	[sflag:s23] =	ssyncadd.s32 $0xFFFFE700  }
0x95: {  	_ =	swait.ge [sflag:s23], $0x1900  }
0x96: {  	[sflag:s23] =	ssyncset.done $0x0  }
0x97: {  	s6 =	sadd.s32 @!p0 $0xFFFFFF80, s5;
	s7 =	simm.s32 @!p0 $0xF000;
	[sflag:s23] =	ssyncadd.s32 $0xFFFFE700  }
0x98: {  	[tilespmem:s7], [sflag:$0x5] =	stream.indirect.gather @!p0 [hbm4b:s2+s16], $0x80, s6, s16, $0xb8;
	[tilespmem:$0x1C000] =	vst v63  }
0x99: {  	_ =	swait.ge [sflag:s31], $0x3200  }
0x9a: {  	[sflag:s31] =	ssyncset.done $0x0  }
0x9b: {  	s7 =	sadd.s32 $0x3100, s21;
	[sflag:s31] =	ssyncadd.s32 $0xFFFFCE00  }
0x9c: {  	[hbm4b:s7+s3] =	stream.linear.scatter [tilespmem:s0], [sflag:$0x10], $0x1900, $0x38;
	[tilespmem:$0x1C000] =	vst v63  }
0x9d: {  	s16 =	sadd.s32 s17, s11;
	s21 =	simm.s32 $0x1A500  }
0x9e: {  	[hbm4b:s16+s3] =	stream.linear.scatter [tilespmem:s21], [sflag:$0x10], $0x1900, $0x38;
	[tilespmem:$0x1C000] =	vst v63  }
0x9f: {  	_ =	swait.ge [sflag:s22], $0x1900  }
.Ltmp2:
0xa0: {  	[sflag:s22] =	ssyncset.done $0x0;
	(pc) =	sbr.rel @p0 .LBB2_4-.Ltmp2, $4  }
0xa1: {  	[sflag:s22] =	ssyncadd.s32 $0xFFFFE700  }
0xa2: {  	_ =	swait.ge [sflag:s22], $0x1900  }
0xa3: {  	[sflag:s22] =	ssyncset.done $0x0  }
0xa4: {  	[sflag:s22] =	ssyncadd.s32 $0xFFFFE700  }
.Ltmp3:
0xa5: {  	(pc) =	sbr.rel .LBB2_2-.Ltmp3, $3  }
0xa6: {  	_ =	sdelay $0x1  }
0xa7: {  	[tilespmem:s25], [sflag:$0x6] =	stream.indirect.gather [hbm4b:s2+s14], $0x80, s5, s14, $0xb8;
	[tilespmem:$0x1C000] =	vst v63  }
0xa8: {  	s5 =	sadd.s32 $0x400, s5;
	s17 =	sadd.s32 $0x3800, s17  }
.LBB2_5:
0xa9: {  	_ =	sfence.sel $0x180000  }
0xaa: {  	[bflag:$0x0] =	sbarrier.arrive $0xFFFF  }
0xab: {  	_ =	strace $0x90000047  }
0xac: {  	s0 =	stileid.u32;
	[bflag:$0x2] =	sbarrier.arrive $0xFFFF  }
0xad: {  	p0 =	sne.s32 s0, $0x0;
	s0 =	rddreg [dreg:$0x3]  }
0xae: {  	s0 =	sadd.s32 @!p0 $0x100000, s0  }
0xaf: {  	[sflag:s0] =	ssyncadd.tile.s32 @!p0 $0x1;
	_ =	shalt  }
.Lfunc_end2:
_tile_overlayer_lowered:
.L_overlay_start_2:
0xb0: {  	(tag) =	ssettag $0x2  }
0xb1: {  	s0 =	rddreg [dreg:$0x0];
	s2 =	stileid.u32  }
0xb2: {  	s1 =	rddreg [dreg:$0x1];
	p0 =	sne.s32 s2, $0x0  }
0xb3: {  	s3 =	rddreg [dreg:$0x2];
	[bflag:$0x3] =	sbarrier.arrive $0xFFFF;
	s2 =	simm.s32 @!p0 $0x1C11  }
0xb4: {  	[timem:s3], [sflag:s2] =	dma.local @!p0 [hbm:s0], s1  }
0xb5: {  	s0 =	simm.s32 @!p0 $0x11  }
0xb6: {  	_ =	swait.ge @!p0 [sflag:s0], s1  }
0xb7: {  	s1 =	ssub.s32 @!p0 $0x0, s1;
	[sflag:s0] =	ssyncset.done @!p0 $0x0  }
0xb8: {  	[sflag:s0] =	ssyncadd.s32 @!p0 s1  }
0xb9: {  	[bflag:$0x3] =	sbarrier.arrive $0xFFFF  }
0xba: {  	_ =	shalt  }

</sc_bundles>
